<compile_context>
chip_gen: v7x
topology: tpu7x:2x2x1
jax: 0.10.2.dev20260603
libtpu: 0.0.44.dev20260713+nightly
codegen_flags: <defaults>
</compile_context>

<pallas_src>
import jax
import jax.numpy as jnp
from jax import lax
from jax.experimental import pallas as pl
from jax.experimental.pallas import tpu as pltpu
from jax.experimental.pallas import tpu_sc as plsc

N = 16384
K = 1024
D = 64

NH = 1
H = N // NH
BN = 4096
SUB = 1024
NSUB = BN // SUB
NBH = H // BN



def _assign_body(xt_ref, c_ref, assign_ref, sumd_ref):
    i = pl.program_id(0)
    c = c_ref[...]
    c2 = jnp.sum(c * c, axis=1, keepdims=True)

    @pl.when(i == 0)
    def _():
        sumd_ref[...] = jnp.zeros((1, 1), jnp.float32)

    sub_sum = jnp.zeros((1, 1), jnp.float32)
    for s in range(NSUB):
        xt = xt_ref[:, pl.ds(s * SUB, SUB)]
        x2 = jnp.sum(xt * xt, axis=0, keepdims=True)
        prod = lax.dot_general(c, xt, (((1,), (0,)), ((), ())),
                               preferred_element_type=jnp.float32)
        dist = (x2 - 2.0 * prod) + c2
        minv = jnp.min(dist, axis=0, keepdims=True)
        kidx = lax.broadcasted_iota(jnp.int32, (K, SUB), 0)
        cand = jnp.where(dist == minv, kidx, jnp.int32(K))
        assign_ref[pl.ds(s * SUB, SUB)] = jnp.min(cand, axis=0)
        sub_sum = sub_sum + jnp.sum(minv).reshape(1, 1)

    sumd_ref[...] += sub_sum


def _assign_stage(xt, centroids, h):
    assign3, sumd = pl.pallas_call(
        _assign_body,
        grid=(NBH,),
        in_specs=[
            pl.BlockSpec((D, BN), lambda i: (0, i + h * NBH)),
            pl.BlockSpec((K, D), lambda i: (0, 0)),
        ],
        out_specs=[
            pl.BlockSpec((BN,), lambda i: (i,)),
            pl.BlockSpec((1, 1), lambda i: (0, 0)),
        ],
        out_shape=[
            jax.ShapeDtypeStruct((H,), jnp.int32),
            jax.ShapeDtypeStruct((1, 1), jnp.float32),
        ],
    )(xt, centroids)
    return assign3, sumd



CHUNK = 128
NWORK = 32
PTS_PER_WORKER = H // NWORK
NCHUNKS = PTS_PER_WORKER // CHUNK
ROWS_PER_TILE = K // 16


def _make_sc_body(h):
    def _sc_body(assign_hbm, x_hbm, psums_hbm, pcnts_hbm,
                 idx_v, x_v, ones_v, row_v, cnt_v, sums_sh, cnts_sh,
                 lsem0, lsem1, ssem):
        cid = lax.axis_index("c")
        sid = lax.axis_index("s")
        wid = cid * 16 + sid
        zero16 = jnp.zeros((16,), jnp.float32)
        one16 = jnp.ones((16,), jnp.float32)

        ld_idx = pltpu.async_copy(assign_hbm.at[pl.ds(wid * NCHUNKS, NCHUNKS)],
                                  idx_v, lsem0)
        ld_x = pltpu.async_copy(
            x_hbm.at[pl.ds(h * H + wid * PTS_PER_WORKER, PTS_PER_WORKER)],
            x_v, lsem1)

        def fill_const(r, _):
            for cc in range(D // 16):
                row_v[r, pl.ds(cc * 16, 16)] = zero16
            cnt_v[r, :] = zero16
            return 0

        lax.fori_loop(0, ROWS_PER_TILE, fill_const, 0)

        def fill_ones(r, _):
            ones_v[r, :] = one16
            return 0

        lax.fori_loop(0, CHUNK, fill_ones, 0)

        rbase = sid * ROWS_PER_TILE
        pltpu.sync_copy(row_v, sums_sh.at[pl.ds(rbase, ROWS_PER_TILE)])
        pltpu.sync_copy(cnt_v, cnts_sh.at[pl.ds(rbase, ROWS_PER_TILE)])
        plsc.subcore_barrier()
        ld_idx.wait()
        ld_x.wait()

        descs = []
        for j in range(NCHUNKS):
            descs.append(pltpu.async_copy(
                x_v.at[pl.ds(j * CHUNK, CHUNK)], sums_sh.at[idx_v.at[j]],
                ssem, add=True))
            descs.append(pltpu.async_copy(
                ones_v, cnts_sh.at[idx_v.at[j]], ssem, add=True))
        for dsc in descs:
            dsc.wait()
        plsc.subcore_barrier()

        pltpu.sync_copy(sums_sh.at[pl.ds(rbase, ROWS_PER_TILE)], row_v)
        pltpu.sync_copy(cnts_sh.at[pl.ds(rbase, ROWS_PER_TILE)], cnt_v)
        pltpu.sync_copy(row_v, psums_hbm.at[cid, pl.ds(rbase, ROWS_PER_TILE)])
        pltpu.sync_copy(cnt_v, pcnts_hbm.at[cid, pl.ds(rbase, ROWS_PER_TILE)])

    return _sc_body


def _update_stage(assignments_h, x, h):
    assign2d = assignments_h.reshape(H // CHUNK, CHUNK)
    mesh = plsc.VectorSubcoreMesh(core_axis_name="c", subcore_axis_name="s")
    return pl.kernel(
        _make_sc_body(h),
        out_type=[
            jax.ShapeDtypeStruct((2, K, D), jnp.float32),
            jax.ShapeDtypeStruct((2, K, 16), jnp.float32),
        ],
        mesh=mesh,
        scratch_types=[
            pltpu.VMEM((NCHUNKS, CHUNK), jnp.int32),
            pltpu.VMEM((PTS_PER_WORKER, D), jnp.float32),
            pltpu.VMEM((CHUNK, 16), jnp.float32),
            pltpu.VMEM((ROWS_PER_TILE, D), jnp.float32),
            pltpu.VMEM((ROWS_PER_TILE, 16), jnp.float32),
            pltpu.VMEM_SHARED((K, D), jnp.float32),
            pltpu.VMEM_SHARED((K, 16), jnp.float32),
            pltpu.SemaphoreType.DMA,
            pltpu.SemaphoreType.DMA,
            pltpu.SemaphoreType.DMA,
        ],
    )(assign2d, x)




def _combine_body(ps_ref, pc_ref, out_ref):
    s = ps_ref[0] + ps_ref[1]
    cnt = pc_ref[0, :, 0:1] + pc_ref[1, :, 0:1]
    out_ref[...] = s / cnt


def _combine_stage(psums, pcnts):
    return pl.pallas_call(
        _combine_body,
        out_shape=jax.ShapeDtypeStruct((K, D), jnp.float32),
    )(psums, pcnts)


def kernel(x, centroids):
    xt = jnp.swapaxes(x, 0, 1)
    assignments, sumd = _assign_stage(xt, centroids, 0)
    psums, pcnts = _update_stage(assignments, x, 0)
    updated_centroids = _combine_stage(psums, pcnts)
    return assignments, updated_centroids, sumd[0, 0]

# --- scband reference (transcript-rebuilt; emitter-appended) ---
"""Pipeline reference for scband-k-means-74423193305442 (READ-ONLY COPY).

The authoritative reference and input builder live on the scoring server;
editing this copy changes nothing except your own understanding.
"""

import jax, jax.numpy as jnp
import numpy as np

N = 16384
K = 1024
D = 64

def setup_inputs(seed: int = 0) -> dict:
    key = jax.random.key(seed)
    kx, kc = jax.random.split(key)
    x = jax.random.normal(kx, (N, D), dtype=jnp.float32)
    # Mirror original train(): centroids are initialized from sampled data points,
    # which guarantees every centroid has at least one assigned point (its own seed
    # point at distance 0), avoiding NaN from empty-cluster reduce_mean.
    centroids = x[:K]
    return {"x": x, "centroids": centroids}

def reference(x, centroids):
    # Squared Euclidean distances via expansion-free identity (equivalent to
    # reduce_sum(square(expanded_point - expanded_centroids), -1))
    x2 = jnp.sum(x * x, axis=1, keepdims=True)            # [N, 1]
    c2 = jnp.sum(centroids * centroids, axis=1)           # [K]
    distances = x2 - 2.0 * (x @ centroids.T) + c2[None, :]  # [N, K]
    assignments = jnp.argmin(distances, axis=-1)          # [N] int
    # updated_centroids[k] = mean of points assigned to centroid k
    sums = jax.ops.segment_sum(x, assignments, num_segments=K)              # [K, D]
    counts = jax.ops.segment_sum(jnp.ones((x.shape[0],), x.dtype), assignments, num_segments=K)  # [K]
    updated_centroids = sums / counts[:, None]            # NaN for empty clusters, matching tf reduce_mean of empty
    sum_distances = jnp.sum(jnp.min(distances, axis=-1))
    return assignments, updated_centroids, sum_distances

if __name__ == "__main__":
    import jax
    _d = setup_inputs()
    print(jax.jit(kernel)(*tuple(_d.values())))

</pallas_src>

<mosaic_0001>
#map = affine_map<(d0, d1) -> (0, 0)>
#map1 = affine_map<(d0, d1) -> (0, 0, 0)>
module attributes {stable_mosaic.version = 14 : i64} {
  func.func @_sc_body(%arg0: i32, %arg1: i32, %arg2: memref<128x128xi32, #tpu.memory_space<hbm>>, %arg3: memref<16384x64xf32, #tpu.memory_space<hbm>>, %arg4: memref<2x1024x64xf32, #tpu.memory_space<hbm>>, %arg5: memref<2x1024x16xf32, #tpu.memory_space<hbm>>, %arg6: memref<4x128xi32, #tpu.memory_space<vmem>>, %arg7: memref<512x64xf32, #tpu.memory_space<vmem>>, %arg8: memref<128x16xf32, #tpu.memory_space<vmem>>, %arg9: memref<64x64xf32, #tpu.memory_space<vmem>>, %arg10: memref<64x16xf32, #tpu.memory_space<vmem>>, %arg11: memref<1024x64xf32, #tpu.memory_space<vmem_shared>>, %arg12: memref<1024x16xf32, #tpu.memory_space<vmem_shared>>, %arg13: memref<!tpu.dma_semaphore, #tpu.memory_space<semaphore_mem>>, %arg14: memref<!tpu.dma_semaphore, #tpu.memory_space<semaphore_mem>>, %arg15: memref<!tpu.dma_semaphore, #tpu.memory_space<semaphore_mem>>) attributes {dimension_semantics = [#tpu.dimension_semantics<core_parallel>, #tpu.dimension_semantics<subcore_parallel>], iteration_bounds = array<i64: 2, 16>, scalar_prefetch = 0 : i64, scratch_operands = 10 : i64, tpu.core_type = #tpu.core_type<sc_vector_subcore>, window_params = [{transform_indices = #map}, {transform_indices = #map}, {transform_indices = #map1}, {transform_indices = #map1}]} {
    %mul3A = arith.constant 16 : i32
    %mul3A_0 = arith.muli %arg0, %mul3A : i32
    %add3A = arith.addi %mul3A_0, %arg1 : i32
    %broadcast_in_dim3A = arith.constant 0.000000e+00 : f32
    %broadcast_in_dim3A_1 = vector.broadcast %broadcast_in_dim3A : f32 to vector<16xf32>
    %broadcast_in_dim3A_2 = arith.constant 1.000000e+00 : f32
    %broadcast_in_dim3A_3 = vector.broadcast %broadcast_in_dim3A_2 : f32 to vector<16xf32>
    %mul3A_4 = arith.constant 4 : i32
    %mul3A_5 = arith.muli %add3A, %mul3A_4 : i32
    %dma_start3A = arith.constant 0 : i32
    %dma_start3A_6 = tpu.memref_slice %arg2[%mul3A_5, %dma_start3A] : memref<128x128xi32, #tpu.memory_space<hbm>> -> memref<4x128xi32, #tpu.memory_space<hbm>>
    %dma_start3A_7 = arith.constant 0 : i32
    %dma_start3A_8 = tpu.memref_slice %arg2[%mul3A_5, %dma_start3A_7] : memref<128x128xi32, #tpu.memory_space<hbm>> -> memref<4x128xi32, #tpu.memory_space<hbm>>
    tpu.enqueue_dma source(%dma_start3A_8 : memref<4x128xi32, #tpu.memory_space<hbm>>) target(%arg6 : memref<4x128xi32, #tpu.memory_space<vmem>>) target_semaphore(%arg13 : memref<!tpu.dma_semaphore, #tpu.memory_space<semaphore_mem>>)
    %mul3A_9 = arith.constant 512 : i32
    %mul3A_10 = arith.muli %add3A, %mul3A_9 : i32
    %add3A_11 = arith.constant 0 : i32
    %add3A_12 = arith.addi %add3A_11, %mul3A_10 : i32
    %dma_start3A_13 = arith.constant 0 : i32
    %dma_start3A_14 = tpu.memref_slice %arg3[%add3A_12, %dma_start3A_13] : memref<16384x64xf32, #tpu.memory_space<hbm>> -> memref<512x64xf32, #tpu.memory_space<hbm>>
    %dma_start3A_15 = arith.constant 0 : i32
    %dma_start3A_16 = tpu.memref_slice %arg3[%add3A_12, %dma_start3A_15] : memref<16384x64xf32, #tpu.memory_space<hbm>> -> memref<512x64xf32, #tpu.memory_space<hbm>>
    tpu.enqueue_dma source(%dma_start3A_16 : memref<512x64xf32, #tpu.memory_space<hbm>>) target(%arg7 : memref<512x64xf32, #tpu.memory_space<vmem>>) target_semaphore(%arg14 : memref<!tpu.dma_semaphore, #tpu.memory_space<semaphore_mem>>)
    %scan3A = arith.constant 0 : i32
    %scan3A_17 = arith.constant 0 : i32
    %scan3A_18 = arith.constant 64 : i32
    %scan3A_19 = arith.addi %scan3A_17, %scan3A_18 : i32
    %scan3A_20 = arith.constant 1 : i32
    %scan3A_21 = scf.for %scan3A_176 = %scan3A_17 to %scan3A_19 step %scan3A_20 iter_args(%scan3A_177 = %scan3A) -> (i32)  : i32 {
      %swap3A = arith.index_cast %scan3A_176 : i32 to index
      %swap3A_178 = arith.constant 0 : index
      %swap3A_179 = tpu.vector_load %arg9[%swap3A, %swap3A_178] {strides = array<i32>} : memref<64x64xf32, #tpu.memory_space<vmem>>, vector<1x16xf32>,
      %swap3A_180 = vector.shape_cast %swap3A_179 : vector<1x16xf32> to vector<16xf32>
      %swap3A_181 = vector.shape_cast %broadcast_in_dim3A_1 : vector<16xf32> to vector<1x16xf32>
      tpu.vector_store %arg9[%swap3A, %swap3A_178], %swap3A_181 {strides = array<i32>} : memref<64x64xf32, #tpu.memory_space<vmem>>, vector<1x16xf32>,
      %swap3A_182 = arith.index_cast %scan3A_176 : i32 to index
      %swap3A_183 = arith.constant 16 : index
      %swap3A_184 = tpu.vector_load %arg9[%swap3A_182, %swap3A_183] {strides = array<i32>} : memref<64x64xf32, #tpu.memory_space<vmem>>, vector<1x16xf32>,
      %swap3A_185 = vector.shape_cast %swap3A_184 : vector<1x16xf32> to vector<16xf32>
      %swap3A_186 = vector.shape_cast %broadcast_in_dim3A_1 : vector<16xf32> to vector<1x16xf32>
      tpu.vector_store %arg9[%swap3A_182, %swap3A_183], %swap3A_186 {strides = array<i32>} : memref<64x64xf32, #tpu.memory_space<vmem>>, vector<1x16xf32>,
      %swap3A_187 = arith.index_cast %scan3A_176 : i32 to index
      %swap3A_188 = arith.constant 32 : index
      %swap3A_189 = tpu.vector_load %arg9[%swap3A_187, %swap3A_188] {strides = array<i32>} : memref<64x64xf32, #tpu.memory_space<vmem>>, vector<1x16xf32>,
      %swap3A_190 = vector.shape_cast %swap3A_189 : vector<1x16xf32> to vector<16xf32>
      %swap3A_191 = vector.shape_cast %broadcast_in_dim3A_1 : vector<16xf32> to vector<1x16xf32>
      tpu.vector_store %arg9[%swap3A_187, %swap3A_188], %swap3A_191 {strides = array<i32>} : memref<64x64xf32, #tpu.memory_space<vmem>>, vector<1x16xf32>,
      %swap3A_192 = arith.index_cast %scan3A_176 : i32 to index
      %swap3A_193 = arith.constant 48 : index
      %swap3A_194 = tpu.vector_load %arg9[%swap3A_192, %swap3A_193] {strides = array<i32>} : memref<64x64xf32, #tpu.memory_space<vmem>>, vector<1x16xf32>,
      %swap3A_195 = vector.shape_cast %swap3A_194 : vector<1x16xf32> to vector<16xf32>
      %swap3A_196 = vector.shape_cast %broadcast_in_dim3A_1 : vector<16xf32> to vector<1x16xf32>
      tpu.vector_store %arg9[%swap3A_192, %swap3A_193], %swap3A_196 {strides = array<i32>} : memref<64x64xf32, #tpu.memory_space<vmem>>, vector<1x16xf32>,
      %swap3A_197 = arith.index_cast %scan3A_176 : i32 to index
      %swap3A_198 = arith.constant 0 : index
      %swap3A_199 = tpu.vector_load %arg10[%swap3A_197, %swap3A_198] {strides = array<i32>} : memref<64x16xf32, #tpu.memory_space<vmem>>, vector<1x16xf32>,
      %swap3A_200 = vector.shape_cast %swap3A_199 : vector<1x16xf32> to vector<16xf32>
      %swap3A_201 = vector.shape_cast %broadcast_in_dim3A_1 : vector<16xf32> to vector<1x16xf32>
      tpu.vector_store %arg10[%swap3A_197, %swap3A_198], %swap3A_201 {strides = array<i32>} : memref<64x16xf32, #tpu.memory_space<vmem>>, vector<1x16xf32>,
      %scan3A_202 = arith.constant 0 : i32
      scf.yield %scan3A_202 : i32
    }
    %scan3A_22 = arith.constant 64 : i32
    %scan3A_23 = arith.constant 0 : i32
    %scan3A_24 = arith.constant 0 : i32
    %scan3A_25 = arith.constant 128 : i32
    %scan3A_26 = arith.addi %scan3A_24, %scan3A_25 : i32
    %scan3A_27 = arith.constant 1 : i32
    %scan3A_28 = scf.for %scan3A_176 = %scan3A_24 to %scan3A_26 step %scan3A_27 iter_args(%scan3A_177 = %scan3A_23) -> (i32)  : i32 {
      %swap3A = arith.index_cast %scan3A_176 : i32 to index
      %swap3A_178 = arith.constant 0 : index
      %swap3A_179 = tpu.vector_load %arg8[%swap3A, %swap3A_178] {strides = array<i32>} : memref<128x16xf32, #tpu.memory_space<vmem>>, vector<1x16xf32>,
      %swap3A_180 = vector.shape_cast %swap3A_179 : vector<1x16xf32> to vector<16xf32>
      %swap3A_181 = vector.shape_cast %broadcast_in_dim3A_3 : vector<16xf32> to vector<1x16xf32>
      tpu.vector_store %arg8[%swap3A, %swap3A_178], %swap3A_181 {strides = array<i32>} : memref<128x16xf32, #tpu.memory_space<vmem>>, vector<1x16xf32>,
      %scan3A_182 = arith.constant 0 : i32
      scf.yield %scan3A_182 : i32
    }
    %scan3A_29 = arith.constant 128 : i32
    %mul3A_30 = arith.constant 64 : i32
    %mul3A_31 = arith.muli %arg1, %mul3A_30 : i32
    "tpu.region"() ({
      %run_scoped3A = tpu.sem_alloc : memref<!tpu.dma_semaphore, #tpu.memory_space<semaphore_mem>>
      %dma_start3A_176 = arith.constant 0 : i32
      %dma_start3A_177 = tpu.memref_slice %arg11[%mul3A_31, %dma_start3A_176] : memref<1024x64xf32, #tpu.memory_space<vmem_shared>> -> memref<64x64xf32, #tpu.memory_space<vmem_shared>>
      %dma_start3A_178 = arith.constant 0 : i32
      %dma_start3A_179 = tpu.memref_slice %arg11[%mul3A_31, %dma_start3A_178] : memref<1024x64xf32, #tpu.memory_space<vmem_shared>> -> memref<64x64xf32, #tpu.memory_space<vmem_shared>>
      tpu.enqueue_dma source(%arg9 : memref<64x64xf32, #tpu.memory_space<vmem>>) target(%dma_start3A_179 : memref<64x64xf32, #tpu.memory_space<vmem_shared>>) target_semaphore(%run_scoped3A : memref<!tpu.dma_semaphore, #tpu.memory_space<semaphore_mem>>)
      %dma_wait3A_180 = arith.constant 0 : i32
      %dma_wait3A_181 = tpu.memref_slice %arg11[%mul3A_31, %dma_wait3A_180] : memref<1024x64xf32, #tpu.memory_space<vmem_shared>> -> memref<64x64xf32, #tpu.memory_space<vmem_shared>>
      %dma_wait3A_182 = arith.constant 0 : i32
      %dma_wait3A_183 = tpu.memref_slice %arg11[%mul3A_31, %dma_wait3A_182] : memref<1024x64xf32, #tpu.memory_space<vmem_shared>> -> memref<64x64xf32, #tpu.memory_space<vmem_shared>>
      tpu.wait_dma2 semaphore(%run_scoped3A : memref<!tpu.dma_semaphore, #tpu.memory_space<semaphore_mem>>) src(%arg9 : memref<64x64xf32, #tpu.memory_space<vmem>>) dst(%dma_wait3A_183 : memref<64x64xf32, #tpu.memory_space<vmem_shared>>)
      tpu.yield
    }) : () -> ()
    "tpu.region"() ({
      %run_scoped3A = tpu.sem_alloc : memref<!tpu.dma_semaphore, #tpu.memory_space<semaphore_mem>>
      %dma_start3A_176 = arith.constant 0 : i32
      %dma_start3A_177 = tpu.memref_slice %arg12[%mul3A_31, %dma_start3A_176] : memref<1024x16xf32, #tpu.memory_space<vmem_shared>> -> memref<64x16xf32, #tpu.memory_space<vmem_shared>>
      %dma_start3A_178 = arith.constant 0 : i32
      %dma_start3A_179 = tpu.memref_slice %arg12[%mul3A_31, %dma_start3A_178] : memref<1024x16xf32, #tpu.memory_space<vmem_shared>> -> memref<64x16xf32, #tpu.memory_space<vmem_shared>>
      tpu.enqueue_dma source(%arg10 : memref<64x16xf32, #tpu.memory_space<vmem>>) target(%dma_start3A_179 : memref<64x16xf32, #tpu.memory_space<vmem_shared>>) target_semaphore(%run_scoped3A : memref<!tpu.dma_semaphore, #tpu.memory_space<semaphore_mem>>)
      %dma_wait3A_180 = arith.constant 0 : i32
      %dma_wait3A_181 = tpu.memref_slice %arg12[%mul3A_31, %dma_wait3A_180] : memref<1024x16xf32, #tpu.memory_space<vmem_shared>> -> memref<64x16xf32, #tpu.memory_space<vmem_shared>>
      %dma_wait3A_182 = arith.constant 0 : i32
      %dma_wait3A_183 = tpu.memref_slice %arg12[%mul3A_31, %dma_wait3A_182] : memref<1024x16xf32, #tpu.memory_space<vmem_shared>> -> memref<64x16xf32, #tpu.memory_space<vmem_shared>>
      tpu.wait_dma2 semaphore(%run_scoped3A : memref<!tpu.dma_semaphore, #tpu.memory_space<semaphore_mem>>) src(%arg10 : memref<64x16xf32, #tpu.memory_space<vmem>>) dst(%dma_wait3A_183 : memref<64x16xf32, #tpu.memory_space<vmem_shared>>)
      tpu.yield
    }) : () -> ()
    %barrier3A = arith.constant 0 : index
    tpu.barrier barrier_id(%barrier3A)
    %dma_wait3A = arith.constant 0 : i32
    %dma_wait3A_32 = tpu.memref_slice %arg2[%mul3A_5, %dma_wait3A] : memref<128x128xi32, #tpu.memory_space<hbm>> -> memref<4x128xi32, #tpu.memory_space<hbm>>
    %dma_wait3A_33 = arith.constant 0 : i32
    %dma_wait3A_34 = tpu.memref_slice %arg2[%mul3A_5, %dma_wait3A_33] : memref<128x128xi32, #tpu.memory_space<hbm>> -> memref<4x128xi32, #tpu.memory_space<hbm>>
    tpu.wait_dma2 semaphore(%arg13 : memref<!tpu.dma_semaphore, #tpu.memory_space<semaphore_mem>>) src(%dma_wait3A_34 : memref<4x128xi32, #tpu.memory_space<hbm>>) dst(%arg6 : memref<4x128xi32, #tpu.memory_space<vmem>>)
    %dma_wait3A_35 = arith.constant 0 : i32
    %dma_wait3A_36 = tpu.memref_slice %arg3[%add3A_12, %dma_wait3A_35] : memref<16384x64xf32, #tpu.memory_space<hbm>> -> memref<512x64xf32, #tpu.memory_space<hbm>>
    %dma_wait3A_37 = arith.constant 0 : i32
    %dma_wait3A_38 = tpu.memref_slice %arg3[%add3A_12, %dma_wait3A_37] : memref<16384x64xf32, #tpu.memory_space<hbm>> -> memref<512x64xf32, #tpu.memory_space<hbm>>
    tpu.wait_dma2 semaphore(%arg14 : memref<!tpu.dma_semaphore, #tpu.memory_space<semaphore_mem>>) src(%dma_wait3A_38 : memref<512x64xf32, #tpu.memory_space<hbm>>) dst(%arg7 : memref<512x64xf32, #tpu.memory_space<vmem>>)
    %dma_start3A_39 = arith.constant 0 : i32
    %dma_start3A_40 = arith.constant 0 : i32
    %dma_start3A_41 = arith.constant 0 : i32
    %dma_start3A_42 = tpu.memref_slice %arg7[%dma_start3A_40, %dma_start3A_41] : memref<512x64xf32, #tpu.memory_space<vmem>> -> memref<128x64xf32, #tpu.memory_space<vmem>>
    %dma_start3A_43 = arith.constant 0 : i32
    %dma_start3A_44 = tpu.memref_slice %arg6[%dma_start3A_39, %dma_start3A_43] : memref<4x128xi32, #tpu.memory_space<vmem>> -> memref<1x128xi32, #tpu.memory_space<vmem>>
    %dma_start3A_45 = tpu.memref_squeeze %dma_start3A_44 : memref<1x128xi32, #tpu.memory_space<vmem>> -> memref<128xi32, #tpu.memory_space<vmem>>
    %dma_start3A_46 = arith.constant 0 : i32
    %dma_start3A_47 = arith.constant 0 : i32
    %dma_start3A_48 = tpu.memref_slice %arg11[%dma_start3A_46, %dma_start3A_47] : memref<1024x64xf32, #tpu.memory_space<vmem_shared>> -> memref<1024x64xf32, #tpu.memory_space<vmem_shared>>
    tpu.enqueue_indirect_dma source(%dma_start3A_42 : memref<128x64xf32, #tpu.memory_space<vmem>>) target(%dma_start3A_48 : memref<1024x64xf32, #tpu.memory_space<vmem_shared>>) offsets(%dma_start3A_45 : memref<128xi32, #tpu.memory_space<vmem>>) semaphore(%arg15 : memref<!tpu.dma_semaphore, #tpu.memory_space<semaphore_mem>>) {add = true}
    %dma_start3A_49 = arith.constant 0 : i32
    %dma_start3A_50 = arith.constant 0 : i32
    %dma_start3A_51 = tpu.memref_slice %arg6[%dma_start3A_49, %dma_start3A_50] : memref<4x128xi32, #tpu.memory_space<vmem>> -> memref<1x128xi32, #tpu.memory_space<vmem>>
    %dma_start3A_52 = tpu.memref_squeeze %dma_start3A_51 : memref<1x128xi32, #tpu.memory_space<vmem>> -> memref<128xi32, #tpu.memory_space<vmem>>
    %dma_start3A_53 = arith.constant 0 : i32
    %dma_start3A_54 = arith.constant 0 : i32
    %dma_start3A_55 = tpu.memref_slice %arg12[%dma_start3A_53, %dma_start3A_54] : memref<1024x16xf32, #tpu.memory_space<vmem_shared>> -> memref<1024x16xf32, #tpu.memory_space<vmem_shared>>
    tpu.enqueue_indirect_dma source(%arg8 : memref<128x16xf32, #tpu.memory_space<vmem>>) target(%dma_start3A_55 : memref<1024x16xf32, #tpu.memory_space<vmem_shared>>) offsets(%dma_start3A_52 : memref<128xi32, #tpu.memory_space<vmem>>) semaphore(%arg15 : memref<!tpu.dma_semaphore, #tpu.memory_space<semaphore_mem>>) {add = true}
    %dma_start3A_56 = arith.constant 1 : i32
    %dma_start3A_57 = arith.constant 128 : i32
    %dma_start3A_58 = arith.constant 0 : i32
    %dma_start3A_59 = tpu.memref_slice %arg7[%dma_start3A_57, %dma_start3A_58] : memref<512x64xf32, #tpu.memory_space<vmem>> -> memref<128x64xf32, #tpu.memory_space<vmem>>
    %dma_start3A_60 = arith.constant 0 : i32
    %dma_start3A_61 = tpu.memref_slice %arg6[%dma_start3A_56, %dma_start3A_60] : memref<4x128xi32, #tpu.memory_space<vmem>> -> memref<1x128xi32, #tpu.memory_space<vmem>>
    %dma_start3A_62 = tpu.memref_squeeze %dma_start3A_61 : memref<1x128xi32, #tpu.memory_space<vmem>> -> memref<128xi32, #tpu.memory_space<vmem>>
    %dma_start3A_63 = arith.constant 0 : i32
    %dma_start3A_64 = arith.constant 0 : i32
    %dma_start3A_65 = tpu.memref_slice %arg11[%dma_start3A_63, %dma_start3A_64] : memref<1024x64xf32, #tpu.memory_space<vmem_shared>> -> memref<1024x64xf32, #tpu.memory_space<vmem_shared>>
    tpu.enqueue_indirect_dma source(%dma_start3A_59 : memref<128x64xf32, #tpu.memory_space<vmem>>) target(%dma_start3A_65 : memref<1024x64xf32, #tpu.memory_space<vmem_shared>>) offsets(%dma_start3A_62 : memref<128xi32, #tpu.memory_space<vmem>>) semaphore(%arg15 : memref<!tpu.dma_semaphore, #tpu.memory_space<semaphore_mem>>) {add = true}
    %dma_start3A_66 = arith.constant 1 : i32
    %dma_start3A_67 = arith.constant 0 : i32
    %dma_start3A_68 = tpu.memref_slice %arg6[%dma_start3A_66, %dma_start3A_67] : memref<4x128xi32, #tpu.memory_space<vmem>> -> memref<1x128xi32, #tpu.memory_space<vmem>>
    %dma_start3A_69 = tpu.memref_squeeze %dma_start3A_68 : memref<1x128xi32, #tpu.memory_space<vmem>> -> memref<128xi32, #tpu.memory_space<vmem>>
    %dma_start3A_70 = arith.constant 0 : i32
    %dma_start3A_71 = arith.constant 0 : i32
    %dma_start3A_72 = tpu.memref_slice %arg12[%dma_start3A_70, %dma_start3A_71] : memref<1024x16xf32, #tpu.memory_space<vmem_shared>> -> memref<1024x16xf32, #tpu.memory_space<vmem_shared>>
    tpu.enqueue_indirect_dma source(%arg8 : memref<128x16xf32, #tpu.memory_space<vmem>>) target(%dma_start3A_72 : memref<1024x16xf32, #tpu.memory_space<vmem_shared>>) offsets(%dma_start3A_69 : memref<128xi32, #tpu.memory_space<vmem>>) semaphore(%arg15 : memref<!tpu.dma_semaphore, #tpu.memory_space<semaphore_mem>>) {add = true}
    %dma_start3A_73 = arith.constant 2 : i32
    %dma_start3A_74 = arith.constant 256 : i32
    %dma_start3A_75 = arith.constant 0 : i32
    %dma_start3A_76 = tpu.memref_slice %arg7[%dma_start3A_74, %dma_start3A_75] : memref<512x64xf32, #tpu.memory_space<vmem>> -> memref<128x64xf32, #tpu.memory_space<vmem>>
    %dma_start3A_77 = arith.constant 0 : i32
    %dma_start3A_78 = tpu.memref_slice %arg6[%dma_start3A_73, %dma_start3A_77] : memref<4x128xi32, #tpu.memory_space<vmem>> -> memref<1x128xi32, #tpu.memory_space<vmem>>
    %dma_start3A_79 = tpu.memref_squeeze %dma_start3A_78 : memref<1x128xi32, #tpu.memory_space<vmem>> -> memref<128xi32, #tpu.memory_space<vmem>>
    %dma_start3A_80 = arith.constant 0 : i32
    %dma_start3A_81 = arith.constant 0 : i32
    %dma_start3A_82 = tpu.memref_slice %arg11[%dma_start3A_80, %dma_start3A_81] : memref<1024x64xf32, #tpu.memory_space<vmem_shared>> -> memref<1024x64xf32, #tpu.memory_space<vmem_shared>>
    tpu.enqueue_indirect_dma source(%dma_start3A_76 : memref<128x64xf32, #tpu.memory_space<vmem>>) target(%dma_start3A_82 : memref<1024x64xf32, #tpu.memory_space<vmem_shared>>) offsets(%dma_start3A_79 : memref<128xi32, #tpu.memory_space<vmem>>) semaphore(%arg15 : memref<!tpu.dma_semaphore, #tpu.memory_space<semaphore_mem>>) {add = true}
    %dma_start3A_83 = arith.constant 2 : i32
    %dma_start3A_84 = arith.constant 0 : i32
    %dma_start3A_85 = tpu.memref_slice %arg6[%dma_start3A_83, %dma_start3A_84] : memref<4x128xi32, #tpu.memory_space<vmem>> -> memref<1x128xi32, #tpu.memory_space<vmem>>
    %dma_start3A_86 = tpu.memref_squeeze %dma_start3A_85 : memref<1x128xi32, #tpu.memory_space<vmem>> -> memref<128xi32, #tpu.memory_space<vmem>>
    %dma_start3A_87 = arith.constant 0 : i32
    %dma_start3A_88 = arith.constant 0 : i32
    %dma_start3A_89 = tpu.memref_slice %arg12[%dma_start3A_87, %dma_start3A_88] : memref<1024x16xf32, #tpu.memory_space<vmem_shared>> -> memref<1024x16xf32, #tpu.memory_space<vmem_shared>>
    tpu.enqueue_indirect_dma source(%arg8 : memref<128x16xf32, #tpu.memory_space<vmem>>) target(%dma_start3A_89 : memref<1024x16xf32, #tpu.memory_space<vmem_shared>>) offsets(%dma_start3A_86 : memref<128xi32, #tpu.memory_space<vmem>>) semaphore(%arg15 : memref<!tpu.dma_semaphore, #tpu.memory_space<semaphore_mem>>) {add = true}
    %dma_start3A_90 = arith.constant 3 : i32
    %dma_start3A_91 = arith.constant 384 : i32
    %dma_start3A_92 = arith.constant 0 : i32
    %dma_start3A_93 = tpu.memref_slice %arg7[%dma_start3A_91, %dma_start3A_92] : memref<512x64xf32, #tpu.memory_space<vmem>> -> memref<128x64xf32, #tpu.memory_space<vmem>>
    %dma_start3A_94 = arith.constant 0 : i32
    %dma_start3A_95 = tpu.memref_slice %arg6[%dma_start3A_90, %dma_start3A_94] : memref<4x128xi32, #tpu.memory_space<vmem>> -> memref<1x128xi32, #tpu.memory_space<vmem>>
    %dma_start3A_96 = tpu.memref_squeeze %dma_start3A_95 : memref<1x128xi32, #tpu.memory_space<vmem>> -> memref<128xi32, #tpu.memory_space<vmem>>
    %dma_start3A_97 = arith.constant 0 : i32
    %dma_start3A_98 = arith.constant 0 : i32
    %dma_start3A_99 = tpu.memref_slice %arg11[%dma_start3A_97, %dma_start3A_98] : memref<1024x64xf32, #tpu.memory_space<vmem_shared>> -> memref<1024x64xf32, #tpu.memory_space<vmem_shared>>
    tpu.enqueue_indirect_dma source(%dma_start3A_93 : memref<128x64xf32, #tpu.memory_space<vmem>>) target(%dma_start3A_99 : memref<1024x64xf32, #tpu.memory_space<vmem_shared>>) offsets(%dma_start3A_96 : memref<128xi32, #tpu.memory_space<vmem>>) semaphore(%arg15 : memref<!tpu.dma_semaphore, #tpu.memory_space<semaphore_mem>>) {add = true}
    %dma_start3A_100 = arith.constant 3 : i32
    %dma_start3A_101 = arith.constant 0 : i32
    %dma_start3A_102 = tpu.memref_slice %arg6[%dma_start3A_100, %dma_start3A_101] : memref<4x128xi32, #tpu.memory_space<vmem>> -> memref<1x128xi32, #tpu.memory_space<vmem>>
    %dma_start3A_103 = tpu.memref_squeeze %dma_start3A_102 : memref<1x128xi32, #tpu.memory_space<vmem>> -> memref<128xi32, #tpu.memory_space<vmem>>
    %dma_start3A_104 = arith.constant 0 : i32
    %dma_start3A_105 = arith.constant 0 : i32
    %dma_start3A_106 = tpu.memref_slice %arg12[%dma_start3A_104, %dma_start3A_105] : memref<1024x16xf32, #tpu.memory_space<vmem_shared>> -> memref<1024x16xf32, #tpu.memory_space<vmem_shared>>
    tpu.enqueue_indirect_dma source(%arg8 : memref<128x16xf32, #tpu.memory_space<vmem>>) target(%dma_start3A_106 : memref<1024x16xf32, #tpu.memory_space<vmem_shared>>) offsets(%dma_start3A_103 : memref<128xi32, #tpu.memory_space<vmem>>) semaphore(%arg15 : memref<!tpu.dma_semaphore, #tpu.memory_space<semaphore_mem>>) {add = true}
    %dma_wait3A_107 = arith.constant 0 : i32
    %dma_wait3A_108 = arith.constant 0 : i32
    %dma_wait3A_109 = arith.constant 0 : i32
    %dma_wait3A_110 = tpu.memref_slice %arg7[%dma_wait3A_108, %dma_wait3A_109] : memref<512x64xf32, #tpu.memory_space<vmem>> -> memref<128x64xf32, #tpu.memory_space<vmem>>
    %dma_wait3A_111 = arith.constant 0 : i32
    %dma_wait3A_112 = tpu.memref_slice %arg6[%dma_wait3A_107, %dma_wait3A_111] : memref<4x128xi32, #tpu.memory_space<vmem>> -> memref<1x128xi32, #tpu.memory_space<vmem>>
    %dma_wait3A_113 = tpu.memref_squeeze %dma_wait3A_112 : memref<1x128xi32, #tpu.memory_space<vmem>> -> memref<128xi32, #tpu.memory_space<vmem>>
    %dma_wait3A_114 = arith.constant 0 : i32
    %dma_wait3A_115 = arith.constant 0 : i32
    %dma_wait3A_116 = tpu.memref_slice %arg11[%dma_wait3A_114, %dma_wait3A_115] : memref<1024x64xf32, #tpu.memory_space<vmem_shared>> -> memref<1024x64xf32, #tpu.memory_space<vmem_shared>>
    tpu.wait_indirect_dma semaphore(%arg15 : memref<!tpu.dma_semaphore, #tpu.memory_space<semaphore_mem>>) src(%dma_wait3A_110 : memref<128x64xf32, #tpu.memory_space<vmem>>) dst(%dma_wait3A_116 : memref<1024x64xf32, #tpu.memory_space<vmem_shared>>)
    %dma_wait3A_117 = arith.constant 0 : i32
    %dma_wait3A_118 = arith.constant 0 : i32
    %dma_wait3A_119 = tpu.memref_slice %arg6[%dma_wait3A_117, %dma_wait3A_118] : memref<4x128xi32, #tpu.memory_space<vmem>> -> memref<1x128xi32, #tpu.memory_space<vmem>>
    %dma_wait3A_120 = tpu.memref_squeeze %dma_wait3A_119 : memref<1x128xi32, #tpu.memory_space<vmem>> -> memref<128xi32, #tpu.memory_space<vmem>>
    %dma_wait3A_121 = arith.constant 0 : i32
    %dma_wait3A_122 = arith.constant 0 : i32
    %dma_wait3A_123 = tpu.memref_slice %arg12[%dma_wait3A_121, %dma_wait3A_122] : memref<1024x16xf32, #tpu.memory_space<vmem_shared>> -> memref<1024x16xf32, #tpu.memory_space<vmem_shared>>
    tpu.wait_indirect_dma semaphore(%arg15 : memref<!tpu.dma_semaphore, #tpu.memory_space<semaphore_mem>>) src(%arg8 : memref<128x16xf32, #tpu.memory_space<vmem>>) dst(%dma_wait3A_123 : memref<1024x16xf32, #tpu.memory_space<vmem_shared>>)
    %dma_wait3A_124 = arith.constant 1 : i32
    %dma_wait3A_125 = arith.constant 128 : i32
    %dma_wait3A_126 = arith.constant 0 : i32
    %dma_wait3A_127 = tpu.memref_slice %arg7[%dma_wait3A_125, %dma_wait3A_126] : memref<512x64xf32, #tpu.memory_space<vmem>> -> memref<128x64xf32, #tpu.memory_space<vmem>>
    %dma_wait3A_128 = arith.constant 0 : i32
    %dma_wait3A_129 = tpu.memref_slice %arg6[%dma_wait3A_124, %dma_wait3A_128] : memref<4x128xi32, #tpu.memory_space<vmem>> -> memref<1x128xi32, #tpu.memory_space<vmem>>
    %dma_wait3A_130 = tpu.memref_squeeze %dma_wait3A_129 : memref<1x128xi32, #tpu.memory_space<vmem>> -> memref<128xi32, #tpu.memory_space<vmem>>
    %dma_wait3A_131 = arith.constant 0 : i32
    %dma_wait3A_132 = arith.constant 0 : i32
    %dma_wait3A_133 = tpu.memref_slice %arg11[%dma_wait3A_131, %dma_wait3A_132] : memref<1024x64xf32, #tpu.memory_space<vmem_shared>> -> memref<1024x64xf32, #tpu.memory_space<vmem_shared>>
    tpu.wait_indirect_dma semaphore(%arg15 : memref<!tpu.dma_semaphore, #tpu.memory_space<semaphore_mem>>) src(%dma_wait3A_127 : memref<128x64xf32, #tpu.memory_space<vmem>>) dst(%dma_wait3A_133 : memref<1024x64xf32, #tpu.memory_space<vmem_shared>>)
    %dma_wait3A_134 = arith.constant 1 : i32
    %dma_wait3A_135 = arith.constant 0 : i32
    %dma_wait3A_136 = tpu.memref_slice %arg6[%dma_wait3A_134, %dma_wait3A_135] : memref<4x128xi32, #tpu.memory_space<vmem>> -> memref<1x128xi32, #tpu.memory_space<vmem>>
    %dma_wait3A_137 = tpu.memref_squeeze %dma_wait3A_136 : memref<1x128xi32, #tpu.memory_space<vmem>> -> memref<128xi32, #tpu.memory_space<vmem>>
    %dma_wait3A_138 = arith.constant 0 : i32
    %dma_wait3A_139 = arith.constant 0 : i32
    %dma_wait3A_140 = tpu.memref_slice %arg12[%dma_wait3A_138, %dma_wait3A_139] : memref<1024x16xf32, #tpu.memory_space<vmem_shared>> -> memref<1024x16xf32, #tpu.memory_space<vmem_shared>>
    tpu.wait_indirect_dma semaphore(%arg15 : memref<!tpu.dma_semaphore, #tpu.memory_space<semaphore_mem>>) src(%arg8 : memref<128x16xf32, #tpu.memory_space<vmem>>) dst(%dma_wait3A_140 : memref<1024x16xf32, #tpu.memory_space<vmem_shared>>)
    %dma_wait3A_141 = arith.constant 2 : i32
    %dma_wait3A_142 = arith.constant 256 : i32
    %dma_wait3A_143 = arith.constant 0 : i32
    %dma_wait3A_144 = tpu.memref_slice %arg7[%dma_wait3A_142, %dma_wait3A_143] : memref<512x64xf32, #tpu.memory_space<vmem>> -> memref<128x64xf32, #tpu.memory_space<vmem>>
    %dma_wait3A_145 = arith.constant 0 : i32
    %dma_wait3A_146 = tpu.memref_slice %arg6[%dma_wait3A_141, %dma_wait3A_145] : memref<4x128xi32, #tpu.memory_space<vmem>> -> memref<1x128xi32, #tpu.memory_space<vmem>>
    %dma_wait3A_147 = tpu.memref_squeeze %dma_wait3A_146 : memref<1x128xi32, #tpu.memory_space<vmem>> -> memref<128xi32, #tpu.memory_space<vmem>>
    %dma_wait3A_148 = arith.constant 0 : i32
    %dma_wait3A_149 = arith.constant 0 : i32
    %dma_wait3A_150 = tpu.memref_slice %arg11[%dma_wait3A_148, %dma_wait3A_149] : memref<1024x64xf32, #tpu.memory_space<vmem_shared>> -> memref<1024x64xf32, #tpu.memory_space<vmem_shared>>
    tpu.wait_indirect_dma semaphore(%arg15 : memref<!tpu.dma_semaphore, #tpu.memory_space<semaphore_mem>>) src(%dma_wait3A_144 : memref<128x64xf32, #tpu.memory_space<vmem>>) dst(%dma_wait3A_150 : memref<1024x64xf32, #tpu.memory_space<vmem_shared>>)
    %dma_wait3A_151 = arith.constant 2 : i32
    %dma_wait3A_152 = arith.constant 0 : i32
    %dma_wait3A_153 = tpu.memref_slice %arg6[%dma_wait3A_151, %dma_wait3A_152] : memref<4x128xi32, #tpu.memory_space<vmem>> -> memref<1x128xi32, #tpu.memory_space<vmem>>
    %dma_wait3A_154 = tpu.memref_squeeze %dma_wait3A_153 : memref<1x128xi32, #tpu.memory_space<vmem>> -> memref<128xi32, #tpu.memory_space<vmem>>
    %dma_wait3A_155 = arith.constant 0 : i32
    %dma_wait3A_156 = arith.constant 0 : i32
    %dma_wait3A_157 = tpu.memref_slice %arg12[%dma_wait3A_155, %dma_wait3A_156] : memref<1024x16xf32, #tpu.memory_space<vmem_shared>> -> memref<1024x16xf32, #tpu.memory_space<vmem_shared>>
    tpu.wait_indirect_dma semaphore(%arg15 : memref<!tpu.dma_semaphore, #tpu.memory_space<semaphore_mem>>) src(%arg8 : memref<128x16xf32, #tpu.memory_space<vmem>>) dst(%dma_wait3A_157 : memref<1024x16xf32, #tpu.memory_space<vmem_shared>>)
    %dma_wait3A_158 = arith.constant 3 : i32
    %dma_wait3A_159 = arith.constant 384 : i32
    %dma_wait3A_160 = arith.constant 0 : i32
    %dma_wait3A_161 = tpu.memref_slice %arg7[%dma_wait3A_159, %dma_wait3A_160] : memref<512x64xf32, #tpu.memory_space<vmem>> -> memref<128x64xf32, #tpu.memory_space<vmem>>
    %dma_wait3A_162 = arith.constant 0 : i32
    %dma_wait3A_163 = tpu.memref_slice %arg6[%dma_wait3A_158, %dma_wait3A_162] : memref<4x128xi32, #tpu.memory_space<vmem>> -> memref<1x128xi32, #tpu.memory_space<vmem>>
    %dma_wait3A_164 = tpu.memref_squeeze %dma_wait3A_163 : memref<1x128xi32, #tpu.memory_space<vmem>> -> memref<128xi32, #tpu.memory_space<vmem>>
    %dma_wait3A_165 = arith.constant 0 : i32
    %dma_wait3A_166 = arith.constant 0 : i32
    %dma_wait3A_167 = tpu.memref_slice %arg11[%dma_wait3A_165, %dma_wait3A_166] : memref<1024x64xf32, #tpu.memory_space<vmem_shared>> -> memref<1024x64xf32, #tpu.memory_space<vmem_shared>>
    tpu.wait_indirect_dma semaphore(%arg15 : memref<!tpu.dma_semaphore, #tpu.memory_space<semaphore_mem>>) src(%dma_wait3A_161 : memref<128x64xf32, #tpu.memory_space<vmem>>) dst(%dma_wait3A_167 : memref<1024x64xf32, #tpu.memory_space<vmem_shared>>)
    %dma_wait3A_168 = arith.constant 3 : i32
    %dma_wait3A_169 = arith.constant 0 : i32
    %dma_wait3A_170 = tpu.memref_slice %arg6[%dma_wait3A_168, %dma_wait3A_169] : memref<4x128xi32, #tpu.memory_space<vmem>> -> memref<1x128xi32, #tpu.memory_space<vmem>>
    %dma_wait3A_171 = tpu.memref_squeeze %dma_wait3A_170 : memref<1x128xi32, #tpu.memory_space<vmem>> -> memref<128xi32, #tpu.memory_space<vmem>>
    %dma_wait3A_172 = arith.constant 0 : i32
    %dma_wait3A_173 = arith.constant 0 : i32
    %dma_wait3A_174 = tpu.memref_slice %arg12[%dma_wait3A_172, %dma_wait3A_173] : memref<1024x16xf32, #tpu.memory_space<vmem_shared>> -> memref<1024x16xf32, #tpu.memory_space<vmem_shared>>
    tpu.wait_indirect_dma semaphore(%arg15 : memref<!tpu.dma_semaphore, #tpu.memory_space<semaphore_mem>>) src(%arg8 : memref<128x16xf32, #tpu.memory_space<vmem>>) dst(%dma_wait3A_174 : memref<1024x16xf32, #tpu.memory_space<vmem_shared>>)
    %barrier3A_175 = arith.constant 0 : index
    tpu.barrier barrier_id(%barrier3A_175)
    "tpu.region"() ({
      %run_scoped3A = tpu.sem_alloc : memref<!tpu.dma_semaphore, #tpu.memory_space<semaphore_mem>>
      %dma_start3A_176 = arith.constant 0 : i32
      %dma_start3A_177 = tpu.memref_slice %arg11[%mul3A_31, %dma_start3A_176] : memref<1024x64xf32, #tpu.memory_space<vmem_shared>> -> memref<64x64xf32, #tpu.memory_space<vmem_shared>>
      %dma_start3A_178 = arith.constant 0 : i32
      %dma_start3A_179 = tpu.memref_slice %arg11[%mul3A_31, %dma_start3A_178] : memref<1024x64xf32, #tpu.memory_space<vmem_shared>> -> memref<64x64xf32, #tpu.memory_space<vmem_shared>>
      tpu.enqueue_dma source(%dma_start3A_179 : memref<64x64xf32, #tpu.memory_space<vmem_shared>>) target(%arg9 : memref<64x64xf32, #tpu.memory_space<vmem>>) target_semaphore(%run_scoped3A : memref<!tpu.dma_semaphore, #tpu.memory_space<semaphore_mem>>)
      %dma_wait3A_180 = arith.constant 0 : i32
      %dma_wait3A_181 = tpu.memref_slice %arg11[%mul3A_31, %dma_wait3A_180] : memref<1024x64xf32, #tpu.memory_space<vmem_shared>> -> memref<64x64xf32, #tpu.memory_space<vmem_shared>>
      %dma_wait3A_182 = arith.constant 0 : i32
      %dma_wait3A_183 = tpu.memref_slice %arg11[%mul3A_31, %dma_wait3A_182] : memref<1024x64xf32, #tpu.memory_space<vmem_shared>> -> memref<64x64xf32, #tpu.memory_space<vmem_shared>>
      tpu.wait_dma2 semaphore(%run_scoped3A : memref<!tpu.dma_semaphore, #tpu.memory_space<semaphore_mem>>) src(%dma_wait3A_183 : memref<64x64xf32, #tpu.memory_space<vmem_shared>>) dst(%arg9 : memref<64x64xf32, #tpu.memory_space<vmem>>)
      tpu.yield
    }) : () -> ()
    "tpu.region"() ({
      %run_scoped3A = tpu.sem_alloc : memref<!tpu.dma_semaphore, #tpu.memory_space<semaphore_mem>>
      %dma_start3A_176 = arith.constant 0 : i32
      %dma_start3A_177 = tpu.memref_slice %arg12[%mul3A_31, %dma_start3A_176] : memref<1024x16xf32, #tpu.memory_space<vmem_shared>> -> memref<64x16xf32, #tpu.memory_space<vmem_shared>>
      %dma_start3A_178 = arith.constant 0 : i32
      %dma_start3A_179 = tpu.memref_slice %arg12[%mul3A_31, %dma_start3A_178] : memref<1024x16xf32, #tpu.memory_space<vmem_shared>> -> memref<64x16xf32, #tpu.memory_space<vmem_shared>>
      tpu.enqueue_dma source(%dma_start3A_179 : memref<64x16xf32, #tpu.memory_space<vmem_shared>>) target(%arg10 : memref<64x16xf32, #tpu.memory_space<vmem>>) target_semaphore(%run_scoped3A : memref<!tpu.dma_semaphore, #tpu.memory_space<semaphore_mem>>)
      %dma_wait3A_180 = arith.constant 0 : i32
      %dma_wait3A_181 = tpu.memref_slice %arg12[%mul3A_31, %dma_wait3A_180] : memref<1024x16xf32, #tpu.memory_space<vmem_shared>> -> memref<64x16xf32, #tpu.memory_space<vmem_shared>>
      %dma_wait3A_182 = arith.constant 0 : i32
      %dma_wait3A_183 = tpu.memref_slice %arg12[%mul3A_31, %dma_wait3A_182] : memref<1024x16xf32, #tpu.memory_space<vmem_shared>> -> memref<64x16xf32, #tpu.memory_space<vmem_shared>>
      tpu.wait_dma2 semaphore(%run_scoped3A : memref<!tpu.dma_semaphore, #tpu.memory_space<semaphore_mem>>) src(%dma_wait3A_183 : memref<64x16xf32, #tpu.memory_space<vmem_shared>>) dst(%arg10 : memref<64x16xf32, #tpu.memory_space<vmem>>)
      tpu.yield
    }) : () -> ()
    "tpu.region"() ({
      %run_scoped3A = tpu.sem_alloc : memref<!tpu.dma_semaphore, #tpu.memory_space<semaphore_mem>>
      %dma_start3A_176 = arith.constant 0 : i32
      %dma_start3A_177 = tpu.memref_slice %arg4[%arg0, %mul3A_31, %dma_start3A_176] : memref<2x1024x64xf32, #tpu.memory_space<hbm>> -> memref<1x64x64xf32, #tpu.memory_space<hbm>>
      %dma_start3A_178 = tpu.memref_squeeze %dma_start3A_177 : memref<1x64x64xf32, #tpu.memory_space<hbm>> -> memref<64x64xf32, #tpu.memory_space<hbm>>
      %dma_start3A_179 = arith.constant 0 : i32
      %dma_start3A_180 = tpu.memref_slice %arg4[%arg0, %mul3A_31, %dma_start3A_179] : memref<2x1024x64xf32, #tpu.memory_space<hbm>> -> memref<1x64x64xf32, #tpu.memory_space<hbm>>
      %dma_start3A_181 = tpu.memref_squeeze %dma_start3A_180 : memref<1x64x64xf32, #tpu.memory_space<hbm>> -> memref<64x64xf32, #tpu.memory_space<hbm>>
      tpu.enqueue_dma source(%arg9 : memref<64x64xf32, #tpu.memory_space<vmem>>) target(%dma_start3A_181 : memref<64x64xf32, #tpu.memory_space<hbm>>) target_semaphore(%run_scoped3A : memref<!tpu.dma_semaphore, #tpu.memory_space<semaphore_mem>>)
      %dma_wait3A_182 = arith.constant 0 : i32
      %dma_wait3A_183 = tpu.memref_slice %arg4[%arg0, %mul3A_31, %dma_wait3A_182] : memref<2x1024x64xf32, #tpu.memory_space<hbm>> -> memref<1x64x64xf32, #tpu.memory_space<hbm>>
      %dma_wait3A_184 = tpu.memref_squeeze %dma_wait3A_183 : memref<1x64x64xf32, #tpu.memory_space<hbm>> -> memref<64x64xf32, #tpu.memory_space<hbm>>
      %dma_wait3A_185 = arith.constant 0 : i32
      %dma_wait3A_186 = tpu.memref_slice %arg4[%arg0, %mul3A_31, %dma_wait3A_185] : memref<2x1024x64xf32, #tpu.memory_space<hbm>> -> memref<1x64x64xf32, #tpu.memory_space<hbm>>
      %dma_wait3A_187 = tpu.memref_squeeze %dma_wait3A_186 : memref<1x64x64xf32, #tpu.memory_space<hbm>> -> memref<64x64xf32, #tpu.memory_space<hbm>>
      tpu.wait_dma2 semaphore(%run_scoped3A : memref<!tpu.dma_semaphore, #tpu.memory_space<semaphore_mem>>) src(%arg9 : memref<64x64xf32, #tpu.memory_space<vmem>>) dst(%dma_wait3A_187 : memref<64x64xf32, #tpu.memory_space<hbm>>)
      tpu.yield
    }) : () -> ()
    "tpu.region"() ({
      %run_scoped3A = tpu.sem_alloc : memref<!tpu.dma_semaphore, #tpu.memory_space<semaphore_mem>>
      %dma_start3A_176 = arith.constant 0 : i32
      %dma_start3A_177 = tpu.memref_slice %arg5[%arg0, %mul3A_31, %dma_start3A_176] : memref<2x1024x16xf32, #tpu.memory_space<hbm>> -> memref<1x64x16xf32, #tpu.memory_space<hbm>>
      %dma_start3A_178 = tpu.memref_squeeze %dma_start3A_177 : memref<1x64x16xf32, #tpu.memory_space<hbm>> -> memref<64x16xf32, #tpu.memory_space<hbm>>
      %dma_start3A_179 = arith.constant 0 : i32
      %dma_start3A_180 = tpu.memref_slice %arg5[%arg0, %mul3A_31, %dma_start3A_179] : memref<2x1024x16xf32, #tpu.memory_space<hbm>> -> memref<1x64x16xf32, #tpu.memory_space<hbm>>
      %dma_start3A_181 = tpu.memref_squeeze %dma_start3A_180 : memref<1x64x16xf32, #tpu.memory_space<hbm>> -> memref<64x16xf32, #tpu.memory_space<hbm>>
      tpu.enqueue_dma source(%arg10 : memref<64x16xf32, #tpu.memory_space<vmem>>) target(%dma_start3A_181 : memref<64x16xf32, #tpu.memory_space<hbm>>) target_semaphore(%run_scoped3A : memref<!tpu.dma_semaphore, #tpu.memory_space<semaphore_mem>>)
      %dma_wait3A_182 = arith.constant 0 : i32
      %dma_wait3A_183 = tpu.memref_slice %arg5[%arg0, %mul3A_31, %dma_wait3A_182] : memref<2x1024x16xf32, #tpu.memory_space<hbm>> -> memref<1x64x16xf32, #tpu.memory_space<hbm>>
      %dma_wait3A_184 = tpu.memref_squeeze %dma_wait3A_183 : memref<1x64x16xf32, #tpu.memory_space<hbm>> -> memref<64x16xf32, #tpu.memory_space<hbm>>
      %dma_wait3A_185 = arith.constant 0 : i32
      %dma_wait3A_186 = tpu.memref_slice %arg5[%arg0, %mul3A_31, %dma_wait3A_185] : memref<2x1024x16xf32, #tpu.memory_space<hbm>> -> memref<1x64x16xf32, #tpu.memory_space<hbm>>
      %dma_wait3A_187 = tpu.memref_squeeze %dma_wait3A_186 : memref<1x64x16xf32, #tpu.memory_space<hbm>> -> memref<64x16xf32, #tpu.memory_space<hbm>>
      tpu.wait_dma2 semaphore(%run_scoped3A : memref<!tpu.dma_semaphore, #tpu.memory_space<semaphore_mem>>) src(%arg10 : memref<64x16xf32, #tpu.memory_space<vmem>>) dst(%dma_wait3A_187 : memref<64x16xf32, #tpu.memory_space<hbm>>)
      tpu.yield
    }) : () -> ()
    return
  }
}

module attributes {stable_mosaic.version = 14 : i64} {
  func.func @_assign_body(%arg0: i32, %arg1: memref<64x4096xf32, #tpu.memory_space<vmem>>, %arg2: memref<1024x64xf32, #tpu.memory_space<vmem>>, %arg3: memref<4096xi32, #tpu.memory_space<vmem>>, %arg4: memref<1x1xf32, #tpu.memory_space<vmem>>) attributes {dimension_semantics = [#tpu.dimension_semantics<arbitrary>], iteration_bounds = array<i64: 4>, scalar_prefetch = 0 : i64, scratch_operands = 0 : i64, tpu.core_type = #tpu.core_type<tc>, window_params = [{transform_indices = @transform_0, window_bounds = array<i64: 64, 4096>}, {pipeline_mode = #tpu.pipeline_mode<synchronous>, transform_indices = @transform_1, window_bounds = array<i64: 1024, 64>}, {transform_indices = @transform_2, window_bounds = array<i64: 4096>}, {pipeline_mode = #tpu.pipeline_mode<synchronous>, transform_indices = @transform_3, window_bounds = array<i64: 1, 1>}]} {
    %get3A = arith.constant 0 : index
    %get3A_0 = arith.constant 0 : index
    %get3A_1 = vector.load %arg2[%get3A, %get3A_0] : memref<1024x64xf32, #tpu.memory_space<vmem>>, vector<1024x64xf32>
    %mul3A = arith.mulf %get3A_1, %get3A_1 : vector<1024x64xf32>
    %reduce_sum3A = arith.constant dense<0.000000e+00> : vector<1024xf32>
    %reduce_sum3A_2 = vector.multi_reduction <add>, %mul3A, %reduce_sum3A [1] : vector<1024x64xf32> to vector<1024xf32>
    %broadcast_in_dim3A = vector.shape_cast %reduce_sum3A_2 : vector<1024xf32> to vector<1024x1xf32>
    %eq3A = arith.constant 0 : i32
    %eq3A_3 = arith.cmpi eq, %arg0, %eq3A : i32
    %convert_element_type3A = arith.extui %eq3A_3 : i1 to i32
    %cond3A = arith.constant 0 : i32
    %cond3A_4 = arith.cmpi ne, %convert_element_type3A, %cond3A : i32
    scf.if %cond3A_4 {
      %broadcast_in_dim3A_149 = arith.constant 0.000000e+00 : f32
      %broadcast_in_dim3A_150 = vector.broadcast %broadcast_in_dim3A_149 : f32 to vector<1x1xf32>
      %swap3A_151 = arith.constant 0 : index
      %swap3A_152 = arith.constant 0 : index
      %swap3A_153 = vector.load %arg4[%swap3A_151, %swap3A_152] : memref<1x1xf32, #tpu.memory_space<vmem>>, vector<1x1xf32>
      tpu.vector_store %arg4[%swap3A_151, %swap3A_152], %broadcast_in_dim3A_150 {strides = array<i32>} : memref<1x1xf32, #tpu.memory_space<vmem>>, vector<1x1xf32>,
    } else {
    }
    %broadcast_in_dim3A_5 = arith.constant 0.000000e+00 : f32
    %broadcast_in_dim3A_6 = vector.broadcast %broadcast_in_dim3A_5 : f32 to vector<1x1xf32>
    %get3A_7 = arith.constant 0 : index
    %get3A_8 = arith.constant 0 : index
    %get3A_9 = vector.load %arg1[%get3A_7, %get3A_8] : memref<64x4096xf32, #tpu.memory_space<vmem>>, vector<64x1024xf32>
    %mul3A_10 = arith.mulf %get3A_9, %get3A_9 : vector<64x1024xf32>
    %reduce_sum3A_11 = arith.constant dense<0.000000e+00> : vector<1024xf32>
    %reduce_sum3A_12 = vector.multi_reduction <add>, %mul3A_10, %reduce_sum3A_11 [0] : vector<64x1024xf32> to vector<1024xf32>
    %broadcast_in_dim3A_13 = vector.shape_cast %reduce_sum3A_12 : vector<1024xf32> to vector<1x1024xf32>
    %dot_general3A = arith.constant dense<0.000000e+00> : vector<1024x1024xf32>
    %dot_general3A_14 = tpu.matmul %get3A_1, %get3A_9, %dot_general3A {dimension_numbers = #tpu.dot_dimension_numbers<[1], [0], [0], [1], [0, 0, 1, 1], [], []>, transpose_lhs_hint = false} : vector<1024x64xf32>, vector<64x1024xf32>, vector<1024x1024xf32> -> vector<1024x1024xf32>
    %mul3A_15 = arith.constant 2.000000e+00 : f32
    %mul3A_16 = vector.broadcast %mul3A_15 : f32 to vector<1024x1024xf32>
    %mul3A_17 = arith.mulf %mul3A_16, %dot_general3A_14 : vector<1024x1024xf32>
    %sub3A = vector.broadcast %broadcast_in_dim3A_13 : vector<1x1024xf32> to vector<1024x1024xf32>
    %sub3A_18 = arith.subf %sub3A, %mul3A_17 : vector<1024x1024xf32>
    %add3A = vector.broadcast %broadcast_in_dim3A : vector<1024x1xf32> to vector<1024x1024xf32>
    %add3A_19 = arith.addf %sub3A_18, %add3A : vector<1024x1024xf32>
    %reduce_min3A = arith.constant dense<0x7F800000> : vector<1024xf32>
    %reduce_min3A_20 = vector.multi_reduction <minimumf>, %add3A_19, %reduce_min3A [0] : vector<1024x1024xf32> to vector<1024xf32>
    %broadcast_in_dim3A_21 = vector.shape_cast %reduce_min3A_20 : vector<1024xf32> to vector<1x1024xf32>
    %iota3A = tpu.iota {dimensions = array<i32: 0>} : vector<1024x1024xi32>
    %eq3A_22 = vector.broadcast %broadcast_in_dim3A_21 : vector<1x1024xf32> to vector<1024x1024xf32>
    %eq3A_23 = arith.cmpf oeq, %add3A_19, %eq3A_22 : vector<1024x1024xf32>
    %jit3A = arith.constant 1024 : i32
    %broadcast_in_dim3A_24 = vector.broadcast %jit3A : i32 to vector<1024x1024xi32>
    %select_n3A = arith.select %eq3A_23, %iota3A, %broadcast_in_dim3A_24 : vector<1024x1024xi1>, vector<1024x1024xi32>
    %reduce_min3A_25 = arith.constant dense<2147483647> : vector<1024xi32>
    %reduce_min3A_26 = vector.multi_reduction <minsi>, %select_n3A, %reduce_min3A_25 [0] : vector<1024x1024xi32> to vector<1024xi32>
    %swap3A = arith.constant 0 : index
    %swap3A_27 = vector.load %arg3[%swap3A] : memref<4096xi32, #tpu.memory_space<vmem>>, vector<1024xi32>
    tpu.vector_store %arg3[%swap3A], %reduce_min3A_26 {strides = array<i32>} : memref<4096xi32, #tpu.memory_space<vmem>>, vector<1024xi32>,
    %reduce_sum3A_28 = vector.shape_cast %broadcast_in_dim3A_21 : vector<1x1024xf32> to vector<1x1x1024xf32>
    %reduce_sum3A_29 = arith.constant dense<0.000000e+00> : vector<1xf32>
    %reduce_sum3A_30 = vector.multi_reduction <add>, %reduce_sum3A_28, %reduce_sum3A_29 [1, 2] : vector<1x1x1024xf32> to vector<1xf32>
    %reduce_sum3A_31 = vector.shape_cast %reduce_sum3A_30 : vector<1xf32> to vector<1x1x1xf32>
    %reduce_sum3A_32 = vector.extract %reduce_sum3A_31[0, 0, 0] : f32 from vector<1x1x1xf32>
    %reshape3A = vector.broadcast %reduce_sum3A_32 : f32 to vector<1x1xf32>
    %add3A_33 = arith.addf %broadcast_in_dim3A_6, %reshape3A : vector<1x1xf32>
    %get3A_34 = arith.constant 0 : index
    %get3A_35 = arith.constant 1024 : index
    %get3A_36 = vector.load %arg1[%get3A_34, %get3A_35] : memref<64x4096xf32, #tpu.memory_space<vmem>>, vector<64x1024xf32>
    %mul3A_37 = arith.mulf %get3A_36, %get3A_36 : vector<64x1024xf32>
    %reduce_sum3A_38 = arith.constant dense<0.000000e+00> : vector<1024xf32>
    %reduce_sum3A_39 = vector.multi_reduction <add>, %mul3A_37, %reduce_sum3A_38 [0] : vector<64x1024xf32> to vector<1024xf32>
    %broadcast_in_dim3A_40 = vector.shape_cast %reduce_sum3A_39 : vector<1024xf32> to vector<1x1024xf32>
    %dot_general3A_41 = arith.constant dense<0.000000e+00> : vector<1024x1024xf32>
    %dot_general3A_42 = tpu.matmul %get3A_1, %get3A_36, %dot_general3A_41 {dimension_numbers = #tpu.dot_dimension_numbers<[1], [0], [0], [1], [0, 0, 1, 1], [], []>, transpose_lhs_hint = false} : vector<1024x64xf32>, vector<64x1024xf32>, vector<1024x1024xf32> -> vector<1024x1024xf32>
    %mul3A_43 = arith.constant 2.000000e+00 : f32
    %mul3A_44 = vector.broadcast %mul3A_43 : f32 to vector<1024x1024xf32>
    %mul3A_45 = arith.mulf %mul3A_44, %dot_general3A_42 : vector<1024x1024xf32>
    %sub3A_46 = vector.broadcast %broadcast_in_dim3A_40 : vector<1x1024xf32> to vector<1024x1024xf32>
    %sub3A_47 = arith.subf %sub3A_46, %mul3A_45 : vector<1024x1024xf32>
    %add3A_48 = vector.broadcast %broadcast_in_dim3A : vector<1024x1xf32> to vector<1024x1024xf32>
    %add3A_49 = arith.addf %sub3A_47, %add3A_48 : vector<1024x1024xf32>
    %reduce_min3A_50 = arith.constant dense<0x7F800000> : vector<1024xf32>
    %reduce_min3A_51 = vector.multi_reduction <minimumf>, %add3A_49, %reduce_min3A_50 [0] : vector<1024x1024xf32> to vector<1024xf32>
    %broadcast_in_dim3A_52 = vector.shape_cast %reduce_min3A_51 : vector<1024xf32> to vector<1x1024xf32>
    %iota3A_53 = tpu.iota {dimensions = array<i32: 0>} : vector<1024x1024xi32>
    %eq3A_54 = vector.broadcast %broadcast_in_dim3A_52 : vector<1x1024xf32> to vector<1024x1024xf32>
    %eq3A_55 = arith.cmpf oeq, %add3A_49, %eq3A_54 : vector<1024x1024xf32>
    %jit3A_56 = arith.constant 1024 : i32
    %broadcast_in_dim3A_57 = vector.broadcast %jit3A_56 : i32 to vector<1024x1024xi32>
    %select_n3A_58 = arith.select %eq3A_55, %iota3A_53, %broadcast_in_dim3A_57 : vector<1024x1024xi1>, vector<1024x1024xi32>
    %reduce_min3A_59 = arith.constant dense<2147483647> : vector<1024xi32>
    %reduce_min3A_60 = vector.multi_reduction <minsi>, %select_n3A_58, %reduce_min3A_59 [0] : vector<1024x1024xi32> to vector<1024xi32>
    %swap3A_61 = arith.constant 1024 : index
    %swap3A_62 = vector.load %arg3[%swap3A_61] : memref<4096xi32, #tpu.memory_space<vmem>>, vector<1024xi32>
    tpu.vector_store %arg3[%swap3A_61], %reduce_min3A_60 {strides = array<i32>} : memref<4096xi32, #tpu.memory_space<vmem>>, vector<1024xi32>,
    %reduce_sum3A_63 = vector.shape_cast %broadcast_in_dim3A_52 : vector<1x1024xf32> to vector<1x1x1024xf32>
    %reduce_sum3A_64 = arith.constant dense<0.000000e+00> : vector<1xf32>
    %reduce_sum3A_65 = vector.multi_reduction <add>, %reduce_sum3A_63, %reduce_sum3A_64 [1, 2] : vector<1x1x1024xf32> to vector<1xf32>
    %reduce_sum3A_66 = vector.shape_cast %reduce_sum3A_65 : vector<1xf32> to vector<1x1x1xf32>
    %reduce_sum3A_67 = vector.extract %reduce_sum3A_66[0, 0, 0] : f32 from vector<1x1x1xf32>
    %reshape3A_68 = vector.broadcast %reduce_sum3A_67 : f32 to vector<1x1xf32>
    %add3A_69 = arith.addf %add3A_33, %reshape3A_68 : vector<1x1xf32>
    %get3A_70 = arith.constant 0 : index
    %get3A_71 = arith.constant 2048 : index
    %get3A_72 = vector.load %arg1[%get3A_70, %get3A_71] : memref<64x4096xf32, #tpu.memory_space<vmem>>, vector<64x1024xf32>
    %mul3A_73 = arith.mulf %get3A_72, %get3A_72 : vector<64x1024xf32>
    %reduce_sum3A_74 = arith.constant dense<0.000000e+00> : vector<1024xf32>
    %reduce_sum3A_75 = vector.multi_reduction <add>, %mul3A_73, %reduce_sum3A_74 [0] : vector<64x1024xf32> to vector<1024xf32>
    %broadcast_in_dim3A_76 = vector.shape_cast %reduce_sum3A_75 : vector<1024xf32> to vector<1x1024xf32>
    %dot_general3A_77 = arith.constant dense<0.000000e+00> : vector<1024x1024xf32>
    %dot_general3A_78 = tpu.matmul %get3A_1, %get3A_72, %dot_general3A_77 {dimension_numbers = #tpu.dot_dimension_numbers<[1], [0], [0], [1], [0, 0, 1, 1], [], []>, transpose_lhs_hint = false} : vector<1024x64xf32>, vector<64x1024xf32>, vector<1024x1024xf32> -> vector<1024x1024xf32>
    %mul3A_79 = arith.constant 2.000000e+00 : f32
    %mul3A_80 = vector.broadcast %mul3A_79 : f32 to vector<1024x1024xf32>
    %mul3A_81 = arith.mulf %mul3A_80, %dot_general3A_78 : vector<1024x1024xf32>
    %sub3A_82 = vector.broadcast %broadcast_in_dim3A_76 : vector<1x1024xf32> to vector<1024x1024xf32>
    %sub3A_83 = arith.subf %sub3A_82, %mul3A_81 : vector<1024x1024xf32>
    %add3A_84 = vector.broadcast %broadcast_in_dim3A : vector<1024x1xf32> to vector<1024x1024xf32>
    %add3A_85 = arith.addf %sub3A_83, %add3A_84 : vector<1024x1024xf32>
    %reduce_min3A_86 = arith.constant dense<0x7F800000> : vector<1024xf32>
    %reduce_min3A_87 = vector.multi_reduction <minimumf>, %add3A_85, %reduce_min3A_86 [0] : vector<1024x1024xf32> to vector<1024xf32>
    %broadcast_in_dim3A_88 = vector.shape_cast %reduce_min3A_87 : vector<1024xf32> to vector<1x1024xf32>
    %iota3A_89 = tpu.iota {dimensions = array<i32: 0>} : vector<1024x1024xi32>
    %eq3A_90 = vector.broadcast %broadcast_in_dim3A_88 : vector<1x1024xf32> to vector<1024x1024xf32>
    %eq3A_91 = arith.cmpf oeq, %add3A_85, %eq3A_90 : vector<1024x1024xf32>
    %jit3A_92 = arith.constant 1024 : i32
    %broadcast_in_dim3A_93 = vector.broadcast %jit3A_92 : i32 to vector<1024x1024xi32>
    %select_n3A_94 = arith.select %eq3A_91, %iota3A_89, %broadcast_in_dim3A_93 : vector<1024x1024xi1>, vector<1024x1024xi32>
    %reduce_min3A_95 = arith.constant dense<2147483647> : vector<1024xi32>
    %reduce_min3A_96 = vector.multi_reduction <minsi>, %select_n3A_94, %reduce_min3A_95 [0] : vector<1024x1024xi32> to vector<1024xi32>
    %swap3A_97 = arith.constant 2048 : index
    %swap3A_98 = vector.load %arg3[%swap3A_97] : memref<4096xi32, #tpu.memory_space<vmem>>, vector<1024xi32>
    tpu.vector_store %arg3[%swap3A_97], %reduce_min3A_96 {strides = array<i32>} : memref<4096xi32, #tpu.memory_space<vmem>>, vector<1024xi32>,
    %reduce_sum3A_99 = vector.shape_cast %broadcast_in_dim3A_88 : vector<1x1024xf32> to vector<1x1x1024xf32>
    %reduce_sum3A_100 = arith.constant dense<0.000000e+00> : vector<1xf32>
    %reduce_sum3A_101 = vector.multi_reduction <add>, %reduce_sum3A_99, %reduce_sum3A_100 [1, 2] : vector<1x1x1024xf32> to vector<1xf32>
    %reduce_sum3A_102 = vector.shape_cast %reduce_sum3A_101 : vector<1xf32> to vector<1x1x1xf32>
    %reduce_sum3A_103 = vector.extract %reduce_sum3A_102[0, 0, 0] : f32 from vector<1x1x1xf32>
    %reshape3A_104 = vector.broadcast %reduce_sum3A_103 : f32 to vector<1x1xf32>
    %add3A_105 = arith.addf %add3A_69, %reshape3A_104 : vector<1x1xf32>
    %get3A_106 = arith.constant 0 : index
    %get3A_107 = arith.constant 3072 : index
    %get3A_108 = vector.load %arg1[%get3A_106, %get3A_107] : memref<64x4096xf32, #tpu.memory_space<vmem>>, vector<64x1024xf32>
    %mul3A_109 = arith.mulf %get3A_108, %get3A_108 : vector<64x1024xf32>
    %reduce_sum3A_110 = arith.constant dense<0.000000e+00> : vector<1024xf32>
    %reduce_sum3A_111 = vector.multi_reduction <add>, %mul3A_109, %reduce_sum3A_110 [0] : vector<64x1024xf32> to vector<1024xf32>
    %broadcast_in_dim3A_112 = vector.shape_cast %reduce_sum3A_111 : vector<1024xf32> to vector<1x1024xf32>
    %dot_general3A_113 = arith.constant dense<0.000000e+00> : vector<1024x1024xf32>
    %dot_general3A_114 = tpu.matmul %get3A_1, %get3A_108, %dot_general3A_113 {dimension_numbers = #tpu.dot_dimension_numbers<[1], [0], [0], [1], [0, 0, 1, 1], [], []>, transpose_lhs_hint = false} : vector<1024x64xf32>, vector<64x1024xf32>, vector<1024x1024xf32> -> vector<1024x1024xf32>
    %mul3A_115 = arith.constant 2.000000e+00 : f32
    %mul3A_116 = vector.broadcast %mul3A_115 : f32 to vector<1024x1024xf32>
    %mul3A_117 = arith.mulf %mul3A_116, %dot_general3A_114 : vector<1024x1024xf32>
    %sub3A_118 = vector.broadcast %broadcast_in_dim3A_112 : vector<1x1024xf32> to vector<1024x1024xf32>
    %sub3A_119 = arith.subf %sub3A_118, %mul3A_117 : vector<1024x1024xf32>
    %add3A_120 = vector.broadcast %broadcast_in_dim3A : vector<1024x1xf32> to vector<1024x1024xf32>
    %add3A_121 = arith.addf %sub3A_119, %add3A_120 : vector<1024x1024xf32>
    %reduce_min3A_122 = arith.constant dense<0x7F800000> : vector<1024xf32>
    %reduce_min3A_123 = vector.multi_reduction <minimumf>, %add3A_121, %reduce_min3A_122 [0] : vector<1024x1024xf32> to vector<1024xf32>
    %broadcast_in_dim3A_124 = vector.shape_cast %reduce_min3A_123 : vector<1024xf32> to vector<1x1024xf32>
    %iota3A_125 = tpu.iota {dimensions = array<i32: 0>} : vector<1024x1024xi32>
    %eq3A_126 = vector.broadcast %broadcast_in_dim3A_124 : vector<1x1024xf32> to vector<1024x1024xf32>
    %eq3A_127 = arith.cmpf oeq, %add3A_121, %eq3A_126 : vector<1024x1024xf32>
    %jit3A_128 = arith.constant 1024 : i32
    %broadcast_in_dim3A_129 = vector.broadcast %jit3A_128 : i32 to vector<1024x1024xi32>
    %select_n3A_130 = arith.select %eq3A_127, %iota3A_125, %broadcast_in_dim3A_129 : vector<1024x1024xi1>, vector<1024x1024xi32>
    %reduce_min3A_131 = arith.constant dense<2147483647> : vector<1024xi32>
    %reduce_min3A_132 = vector.multi_reduction <minsi>, %select_n3A_130, %reduce_min3A_131 [0] : vector<1024x1024xi32> to vector<1024xi32>
    %swap3A_133 = arith.constant 3072 : index
    %swap3A_134 = vector.load %arg3[%swap3A_133] : memref<4096xi32, #tpu.memory_space<vmem>>, vector<1024xi32>
    tpu.vector_store %arg3[%swap3A_133], %reduce_min3A_132 {strides = array<i32>} : memref<4096xi32, #tpu.memory_space<vmem>>, vector<1024xi32>,
    %reduce_sum3A_135 = vector.shape_cast %broadcast_in_dim3A_124 : vector<1x1024xf32> to vector<1x1x1024xf32>
    %reduce_sum3A_136 = arith.constant dense<0.000000e+00> : vector<1xf32>
    %reduce_sum3A_137 = vector.multi_reduction <add>, %reduce_sum3A_135, %reduce_sum3A_136 [1, 2] : vector<1x1x1024xf32> to vector<1xf32>
    %reduce_sum3A_138 = vector.shape_cast %reduce_sum3A_137 : vector<1xf32> to vector<1x1x1xf32>
    %reduce_sum3A_139 = vector.extract %reduce_sum3A_138[0, 0, 0] : f32 from vector<1x1x1xf32>
    %reshape3A_140 = vector.broadcast %reduce_sum3A_139 : f32 to vector<1x1xf32>
    %add3A_141 = arith.addf %add3A_105, %reshape3A_140 : vector<1x1xf32>
    %get3A_142 = arith.constant 0 : index
    %get3A_143 = arith.constant 0 : index
    %get3A_144 = vector.load %arg4[%get3A_142, %get3A_143] : memref<1x1xf32, #tpu.memory_space<vmem>>, vector<1x1xf32>
    %add3A_145 = arith.addf %get3A_144, %add3A_141 : vector<1x1xf32>
    %swap3A_146 = arith.constant 0 : index
    %swap3A_147 = arith.constant 0 : index
    %swap3A_148 = vector.load %arg4[%swap3A_146, %swap3A_147] : memref<1x1xf32, #tpu.memory_space<vmem>>, vector<1x1xf32>
    tpu.vector_store %arg4[%swap3A_146, %swap3A_147], %add3A_145 {strides = array<i32>} : memref<1x1xf32, #tpu.memory_space<vmem>>, vector<1x1xf32>,
    return
  }
  func.func @transform_0(%arg0: i32) -> (i32, i32) {
    %add3A = arith.constant 0 : i32
    %add3A_0 = arith.addi %arg0, %add3A : i32
    %c0_i32 = arith.constant 0 : i32
    %c0_i32_1 = arith.constant 0 : i32
    return %c0_i32, %add3A_0 : i32, i32
  }
  func.func @transform_1(%arg0: i32) -> (i32, i32) {
    %c0_i32 = arith.constant 0 : i32
    %c0_i32_0 = arith.constant 0 : i32
    %c0_i32_1 = arith.constant 0 : i32
    return %c0_i32, %c0_i32_0 : i32, i32
  }
  func.func @transform_2(%arg0: i32) -> i32 {
    %c0_i32 = arith.constant 0 : i32
    return %arg0 : i32
  }
  func.func @transform_3(%arg0: i32) -> (i32, i32) {
    %c0_i32 = arith.constant 0 : i32
    %c0_i32_0 = arith.constant 0 : i32
    %c0_i32_1 = arith.constant 0 : i32
    return %c0_i32, %c0_i32_0 : i32, i32
  }
}

module attributes {stable_mosaic.version = 14 : i64} {
  func.func @_combine_body(%arg0: memref<2x1024x64xf32, #tpu.memory_space<vmem>>, %arg1: memref<2x1024x16xf32, #tpu.memory_space<vmem>>, %arg2: memref<1024x64xf32, #tpu.memory_space<vmem>>) attributes {dimension_semantics = [], scalar_prefetch = 0 : i64, scratch_operands = 0 : i64, tpu.core_type = #tpu.core_type<tc>} {
    %get3A = arith.constant 0 : index
    %get3A_0 = arith.constant 0 : index
    %get3A_1 = arith.constant 0 : index
    %get3A_2 = vector.load %arg0[%get3A, %get3A_0, %get3A_1] : memref<2x1024x64xf32, #tpu.memory_space<vmem>>, vector<1x1024x64xf32>
    %get3A_3 = vector.shape_cast %get3A_2 : vector<1x1024x64xf32> to vector<1024x64xf32>
    %get3A_4 = arith.constant 1 : index
    %get3A_5 = arith.constant 0 : index
    %get3A_6 = arith.constant 0 : index
    %get3A_7 = vector.load %arg0[%get3A_4, %get3A_5, %get3A_6] : memref<2x1024x64xf32, #tpu.memory_space<vmem>>, vector<1x1024x64xf32>
    %get3A_8 = vector.shape_cast %get3A_7 : vector<1x1024x64xf32> to vector<1024x64xf32>
    %add3A = arith.addf %get3A_3, %get3A_8 : vector<1024x64xf32>
    %get3A_9 = arith.constant 0 : index
    %get3A_10 = arith.constant 0 : index
    %get3A_11 = arith.constant 0 : index
    %get3A_12 = vector.load %arg1[%get3A_9, %get3A_10, %get3A_11] : memref<2x1024x16xf32, #tpu.memory_space<vmem>>, vector<1x1024x1xf32>
    %get3A_13 = vector.shape_cast %get3A_12 : vector<1x1024x1xf32> to vector<1024x1xf32>
    %get3A_14 = arith.constant 1 : index
    %get3A_15 = arith.constant 0 : index
    %get3A_16 = arith.constant 0 : index
    %get3A_17 = vector.load %arg1[%get3A_14, %get3A_15, %get3A_16] : memref<2x1024x16xf32, #tpu.memory_space<vmem>>, vector<1x1024x1xf32>
    %get3A_18 = vector.shape_cast %get3A_17 : vector<1x1024x1xf32> to vector<1024x1xf32>
    %add3A_19 = arith.addf %get3A_13, %get3A_18 : vector<1024x1xf32>
    %div3A = vector.broadcast %add3A_19 : vector<1024x1xf32> to vector<1024x64xf32>
    %div3A_20 = arith.divf %add3A, %div3A : vector<1024x64xf32>
    %swap3A = arith.constant 0 : index
    %swap3A_21 = arith.constant 0 : index
    %swap3A_22 = vector.load %arg2[%swap3A, %swap3A_21] : memref<1024x64xf32, #tpu.memory_space<vmem>>, vector<1024x64xf32>
    tpu.vector_store %arg2[%swap3A, %swap3A_21], %div3A_20 {strides = array<i32>} : memref<1024x64xf32, #tpu.memory_space<vmem>>, vector<1024x64xf32>,
    return
  }
}

</mosaic_0001>

<sc_bundles>
// kernel: kernel.5.cloned.1.call-start
scs
__scs_entry_jumppad:
0x0: {  	(pc) =	sbr.rel $0x88, $3  }
0x1: {  	(tag) =	ssettag $0x0;
	lr =	simm.s32 $0x1  }
0x2: {  	[smem:$0x3F9F] =	sst lr;
	_ =	strace $0xD0000000  }
0x3: {  	_ = 	snop  }
0x4: {  	_ = 	snop  }
0x5: {  	_ = 	snop  }
0x6: {  	_ = 	snop  }
0x7: {  	_ = 	snop  }
__scs_overlays_trampoline_lowered:
0x8: {  	[smem:$0x3FAE] =	sst s0  }
0x9: {  	[smem:$0x3FAF] =	sst s1  }
0xa: {  	[smem:$0x3FB0] =	sst s2  }
0xb: {  	[smem:$0x3FB1] =	sst s3  }
0xc: {  	[smem:$0x3FB2] =	sst s4  }
0xd: {  	[smem:$0x3FB3] =	sst s5  }
0xe: {  	[smem:$0x3FB4] =	sst s6  }
0xf: {  	[smem:$0x3FB5] =	sst s7  }
0x10: {  	[smem:$0x3FB6] =	sst s8  }
0x11: {  	[smem:$0x3FB7] =	sst s9;
	s0 =	simm.s32 @!p0 $0x0  }
0x12: {  	s1 =	sld [smem:$0x3F9D];
	s0 =	simm.s32 @p0 $0x1  }
0x13: {  	[smem:$0x3FB8] =	sst s0;
	s0 =	simm.s32 @!p1 $0x0  }
0x14: {  	s2 =	sld [smem:$0x3F9C];
	s0 =	simm.s32 @p1 $0x1  }
0x15: {  	[smem:$0x3FB9] =	sst s0;
	s0 =	simm.s32 @!p2 $0x0  }
0x16: {  	s3 =	sld [smem:$0x3FDB];
	s0 =	simm.s32 @p2 $0x1  }
0x17: {  	s4 =	simm.s32 $0x1BF5;
	[smem:$0x3FBB] =	sst s0  }
0x18: {  	s0 =	sld [smem:$0x3F9E];
	_ =	swait.ge [sflag:s4], $0x0  }
0x19: {  	s7 =	sld [smem:$0x3F9F]  }
0x1a: {  	s8 =	sadd.s32 $0xFFFFE003, lr  }
0x1b: {  	s9 =	sadd.s32 $0xFFFFFEF7, lr;
	s5 =	simm.s32 $0xFFFFFFFF;
	p2 =	slt.u32 s8, $0xFFFFF086  }
0x1c: {  	p1 =	slt.u32 s9, $0xF7A;
	s5 =	simm.s32 @!p2 $0x0  }
0x1d: {  	s5 =	simm.s32 @p1 $0x1;
	p0 =	seq.s32 s7, s2  }
0x1e: {  	s7 =	smul.u32 @!p0 $0xF7A, s2;
	p2 =	seq.s32 @!p0 s5, $0x0  }
0x1f: {  	s9 =	smul.u32 $0xF7A, s1;
	s8 =	simm.s32 @!p0 $0x1BF5;
	p2 =	por !p2, p0  }
0x20: {  	[sflag:s8] =	ssyncset.s32 @!p0 $0xFFFFF086;
	s6 =	sadd.s32 @!p0 s3, s7;
	s7 =	simm.s32 @!p0 $0x108  }
0x21: {  	s3 =	sadd.s32 s3, s9;
	s6 =	sadd.s32 @!p0 $0x88, s6;
	s7 =	simm.s32 @p2 $0x1082  }
0x22: {  	[simem:s7], [sflag:s8] =	dma.local @!p0 [hbm:s6], $0xF7A  }
0x23: {  	s9 =	sor.u32 $0xD0000000, s2;
	s6 =	simm.s32 $0x108;
	_ =	swait.ge @!p0 [sflag:s8], $0x0  }
0x24: {  	s3 =	sadd.s32 $0x88, s3;
	s6 =	simm.s32 @!p1 $0x1082;
	[sflag:s4] =	ssyncset.s32 $0xFFFFF086  }
0x25: {  	[simem:s6], [sflag:s4] =	dma.local [hbm:s3], $0xF7A  }
0x26: {  	[smem:$0x3F9F] =	sst s1;
	(tag) =	ssettag s2;
	_ =	strace s9  }
0x27: {  	s1 =	sld [smem:$0x3FAF]  }
0x28: {  	s2 =	sld [smem:$0x3FB0]  }
0x29: {  	s4 =	sld [smem:$0x3FB2]  }
0x2a: {  	p0 =	seq.s32 s5, $0x0;
	s5 =	sld [smem:$0x3FB3]  }
0x2b: {  	s6 =	sld [smem:$0x3FB4]  }
0x2c: {  	s7 =	sld [smem:$0x3FB5]  }
0x2d: {  	s3 =	simm.s32 $0x108;
	s8 =	sld [smem:$0x3FB6]  }
0x2e: {  	s3 =	simm.s32 @!p0 $0x1082;
	s9 =	sld [smem:$0x3FB7]  }
0x2f: {  	lr =	sadd.s32 s0, s3;
	s0 =	sld [smem:$0x3FAE]  }
0x30: {  	s3 =	sld [smem:$0x3FB1]  }
0x31: {  	[smem:$0x3FBA] =	sst s10  }
0x32: {  	s10 =	sld [smem:$0x3FB8];
	_ =	sdelay $0x3  }
0x33: {  	p0 =	seq.s32 s10, $0x1;
	s10 =	sld [smem:$0x3FBA];
	_ =	sdelay $0x3  }
0x34: {  	[smem:$0x3FBA] =	sst s10  }
0x35: {  	s10 =	sld [smem:$0x3FB9];
	_ =	sdelay $0x3  }
0x36: {  	p1 =	seq.s32 s10, $0x1;
	s10 =	sld [smem:$0x3FBA];
	_ =	sdelay $0x3  }
0x37: {  	[smem:$0x3FBA] =	sst s10  }
0x38: {  	s10 =	sld [smem:$0x3FBB]  }
0x39: {  	_ = 	snop;
	(pc) =	sbr.ind lr, $3  }
0x3a: {  	_ = 	snop  }
0x3b: {  	_ = 	snop  }
0x3c: {  	p2 =	seq.s32 s10, $0x1;
	s10 =	sld [smem:$0x3FBA]  }
0x3d: {  	_ =	shalt  }
0x3e: {  	_ =	shalt  }
0x3f: {  	_ =	shalt  }
0x40: {  	_ =	shalt  }
0x41: {  	_ =	shalt  }
0x42: {  	_ =	shalt  }
0x43: {  	_ =	shalt  }
0x44: {  	_ =	shalt  }
0x45: {  	_ =	shalt  }
0x46: {  	_ =	shalt  }
0x47: {  	_ =	shalt  }
0x48: {  	_ =	shalt  }
0x49: {  	_ =	shalt  }
0x4a: {  	_ =	shalt  }
0x4b: {  	_ =	shalt  }
0x4c: {  	_ =	shalt  }
0x4d: {  	_ =	shalt  }
0x4e: {  	_ =	shalt  }
0x4f: {  	_ =	shalt  }
0x50: {  	_ =	shalt  }
0x51: {  	_ =	shalt  }
0x52: {  	_ =	shalt  }
0x53: {  	_ =	shalt  }
0x54: {  	_ =	shalt  }
0x55: {  	_ =	shalt  }
0x56: {  	_ =	shalt  }
0x57: {  	_ =	shalt  }
0x58: {  	_ =	shalt  }
0x59: {  	_ =	shalt  }
0x5a: {  	_ =	shalt  }
0x5b: {  	_ =	shalt  }
0x5c: {  	_ =	shalt  }
0x5d: {  	_ =	shalt  }
0x5e: {  	_ =	shalt  }
0x5f: {  	_ =	shalt  }
0x60: {  	_ =	shalt  }
0x61: {  	_ =	shalt  }
0x62: {  	_ =	shalt  }
0x63: {  	_ =	shalt  }
0x64: {  	_ =	shalt  }
0x65: {  	_ =	shalt  }
0x66: {  	_ =	shalt  }
0x67: {  	_ =	shalt  }
0x68: {  	_ =	shalt  }
0x69: {  	_ =	shalt  }
0x6a: {  	_ =	shalt  }
0x6b: {  	_ =	shalt  }
0x6c: {  	_ =	shalt  }
0x6d: {  	_ =	shalt  }
0x6e: {  	_ =	shalt  }
0x6f: {  	_ =	shalt  }
0x70: {  	_ =	shalt  }
0x71: {  	_ =	shalt  }
0x72: {  	_ =	shalt  }
0x73: {  	_ =	shalt  }
0x74: {  	_ =	shalt  }
0x75: {  	_ =	shalt  }
0x76: {  	_ =	shalt  }
0x77: {  	_ =	shalt  }
0x78: {  	_ =	shalt  }
0x79: {  	_ =	shalt  }
0x7a: {  	_ =	shalt  }
0x7b: {  	_ =	shalt  }
0x7c: {  	_ =	shalt  }
0x7d: {  	_ =	shalt  }
0x7e: {  	_ =	shalt  }
0x7f: {  	_ =	shalt  }
0x80: {  	_ =	shalt  }
0x81: {  	_ =	shalt  }
0x82: {  	_ =	shalt  }
0x83: {  	_ =	shalt  }
0x84: {  	_ =	shalt  }
0x85: {  	_ =	shalt  }
0x86: {  	_ =	shalt  }
0x87: {  	_ =	shalt  }
.Lfunc_end0:
.L_simem_size_0:
called_computation_lowered:
.L_overlay_start_0:
0x88: {  	s2 =	sld [smem:$0x3FD9]  }
0x89: {  	s3 =	sld [smem:$0x3FFE];
	_ =	sdelay $0x1  }
0x8a: {  	s1 =	srdreg.scid  }
0x8b: {  	s0 =	sand.u32 $0x1, s1  }
0x8c: {  	s14 =	sshll.u32 s0, $0xA;
	s2 =	sadd.s32 s3, s2  }
0x8d: {  	s2 =	sadd.s32 s2, s14  }
0x8e: {  	[smem:$0x3FC6] =	sst s2  }
0x8f: {  	_ = 	snop  }
0x90: {  	s2 =	sld [smem:$0x3FD0];
	_ =	sdelay $0x2  }
0x91: {  	s15 =	simm.s32 $0xA;
	s4 =	simm.s32 $0x10  }
0x92: {  	[smem:s4], [sflag:s15] =	dma.local [hbm:s2], $0x1  }
0x93: {  	_ =	swait.eq [sflag:s15], $0x1  }
0x94: {  	[sflag:s15] =	ssyncset.done $0x0  }
0x95: {  	[sflag:s15] =	ssyncadd.s32 $0xFFFFFFFF  }
0x96: {  	s16 =	sld [smem:$0x10];
	(tm) =	ssettm $0x1  }
0x97: {  	s17 =	sld [smem:$0x3FFB];
	_ =	sdelay $0x3  }
0x98: {  	_ =	strace s17  }
0x99: {  	s3 =	sld [smem:$0x3FFC];
	_ =	sdelay $0x3  }
0x9a: {  	_ =	strace s3  }
0x9b: {  	s3 =	sld [smem:$0x3FFD];
	_ =	sdelay $0x3  }
0x9c: {  	_ =	strace s3  }
0x9d: {  	_ =	strace $0x8FFFFFFF  }
0x9e: {  	s18 =	sld [smem:$0x3FDB];
	_ =	sdelay $0x1  }
0x9f: {  	s19 =	simm.s32 $_scs_section_size  }
0xa0: {  	s5 =	simm.s32 $_size__tile_overlayer_lowered;
	s6 =	simm.s32 $_tile_overlayer_lowered  }
0xa1: {  	s22 =	simm.s32 $0x1BFF;
	s21 =	sshll.u32 s6, $0x1;
	s3 =	sadd.s32 s19, s18  }
0xa2: {  	s7 =	simm.s32 $0x0;
	s20 =	sshll.u32 s5, $0x1;
	s5 =	sadd.s32 s21, s3  }
0xa3: {  	[timem:s7], [sflag:s22] =	dma.local [hbm:s5], s20  }
0xa4: {  	_ =	swait.ge [sflag:s22], s20  }
0xa5: {  	s4 =	ssub.s32 $0x0, s20;
	[sflag:s22] =	ssyncset.done $0x0  }
0xa6: {  	[sflag:s22] =	ssyncadd.s32 s4;
	_ =	sdelay $0x1  }
0xa7: {  	s23 =	simm.s32 $0x1B8B  }
0xa8: {  	_ =	swait.ge [sflag:s23], $0x1  }
0xa9: {  	[sflag:s23] =	ssyncset.done $0x0  }
0xaa: {  	s25 =	simm.s32 $0x1B8E;
	s24 =	sld [smem:$0x3FFE];
	[sflag:s23] =	ssyncadd.s32 $0xFFFFFFFF  }
0xab: {  	s26 =	simm.s32 $execute0_lowered;
	[smem:$0x3FD2] =	sst s25  }
0xac: {  	s5 =	sshll.u32 s26, $0x1;
	_ =	strace $0x80000046;
	[dreg:$0x1] =	wrdreg $0xFFFFFFFF  }
0xad: {  	s28 =	simm.s32 $_size_execute0_lowered;
	s3 =	sadd.s32 s3, s5;
	[dreg:$0x0] =	wrdreg $0x0  }
0xae: {  	s5 =	sshll.u32 s28, $0x1;
	[dreg:$0x2] =	wrdreg s3  }
0xaf: {  	[dreg:$0x3] =	wrdreg s5  }
0xb0: {  	[dreg:$0x4] =	wrdreg $0xC0  }
0xb1: {  	_ =	task [dreg:s7], $0x5FFFF  }
0xb2: {  	[dreg:$0x1] =	wrdreg $0xFFFFFFFF  }
0xb3: {  	[dreg:$0x0] =	wrdreg $0x60  }
0xb4: {  	[dreg:$0x2] =	wrdreg s16  }
0xb5: {  	[dreg:$0x3] =	wrdreg s24  }
0xb6: {  	[dreg:$0x4] =	wrdreg $0x182000  }
0xb7: {  	[dreg:$0x5] =	wrdreg $0x192000  }
0xb8: {  	[dreg:$0x6] =	wrdreg $0x9  }
0xb9: {  	_ =	task.clear_ibuf [dreg:s7], $0x7FFFF;
	_ =	strace $0x90000046  }
0xba: {  	s29 =	simm.s32 $0x9;
	_ =	strace $0x80000048  }
0xbb: {  	_ =	swait.ge [sflag:s29], $0x1  }
0xbc: {  	[sflag:s29] =	ssyncadd.s32 $0xFFFFFFFF  }
0xbd: {  	_ =	strace $0x90000048  }
0xbe: {  	_ =	sfence  }
0xbf: {  	s30 =	sld [smem:$0x0];
	_ =	sdelay $0x2  }
0xc0: {  	s31 =	sshll.u32 s1, $0xD;
	s1 =	sshrl.u32 s1, $0x2  }
0xc1: {  	s3 =	sand.u32 $0x4000, s31;
	s1 =	sadd.s32 s1, s30  }
0xc2: {  	s0 =	sor.u32 s3, s0;
	s1 =	sshll.u32 s1, $0x11  }
0xc3: {  	s0 =	sor.u32 s1, s0  }
0xc4: {  	s0 =	sadd.s32 $0x8F2B, s0  }
0xc5: {  	[sflag:s0] =	ssyncadd.remote.s32 $0x1  }
0xc6: {  	_ =	sfence.sel $0xFFFF  }
0xc7: {  	[dreg:$0x0] =	wrdreg $0xFFFFFFFF;
	(pc) =	sbr.abs _section_cstart, $3  }
0xc8: {  	[dreg:$0x1] =	wrdreg $0xFFFFFFFF  }
0xc9: {  	_ =	task.clear_ibuf [dreg:s7], $0x2FFFF;
	_ =	strace $0x9FFFFFFF  }
0xca: {  	(tm) =	ssettm $0x7FFFFFFF  }
0xcb: {  	_ =	shalt  }
tec
execute0_lowered:
.L_overlay_start_1:
0x0: {  	(tag) =	ssettag $0x1  }
0x1: {  	s5 =	rddreg [dreg:$0x0]  }
0x2: {  	s6 =	rddreg [dreg:$0x1]  }
0x3: {  	s1 =	rddreg [dreg:$0x2]  }
0x4: {  	s2 =	rddreg [dreg:$0x3];
	s3 =	srdreg.scid  }
0x5: {  	s0 =	rddreg [dreg:$0x4];
	s4 =	simm.s32 $0x0;
	s14 =	simm.s32 $0x4  }
0x6: {  	s15 =	simm.s32 $0x16200;
	s16 =	simm.s32 $0x1;
	s17 =	simm.s32 $0x2  }
0x7: {  	s18 =	simm.s32 $0x80;
	s19 =	simm.s32 $0x10200;
	s20 =	simm.s32 $0x4200  }
0x8: {  	s21 =	simm.s32 $0x100;
	s22 =	simm.s32 $0x8200;
	s23 =	simm.s32 $0x180  }
0x9: {  	s24 =	simm.s32 $0xC200;
	s25 =	simm.s32 $0x3;
	s26 =	simm.s32 $0x0  }
0xa: {  	s7 =	sand.u32 $0x1, s3;
	[smem:$0x7FF] =	sst s4;
	s3 =	stileid.u32  }
0xb: {  	s8 =	sshll.u32 s7, $0x4;
	s9 =	sshll.u32 s3, $0xD;
	s10 =	sshll.u32 s7, $0x11  }
0xc: {  	_ =	strace $0x80000047;
	s12 =	sshll.u32 s3, $0x6;
	s7 =	ssub.s32 $0x2, s7  }
0xd: {  	s8 =	sor.u32 s3, s8;
	s10 =	sor.u32 s9, s10;
	s12 =	sand.u32 $0x40, s12  }
0xe: {  	s13 =	sshrl.u32 s7, $0x1;
	s11 =	sshll.u32 s8, $0xD;
	s10 =	sshrl.u32 s10, $0x3  }
0xf: {  	s8 =	sshll.u32 s8, $0x6;
	s5 =	sadd.s32 s5, s12;
	s31 =	ssub.s32 s7, s13  }
0x10: {  	s7 =	sadd.s32 s9, s1;
	s12 =	simm.s32 $0x200;
	s13 =	simm.s32 $0x14200  }
0x11: {  	s11 =	sadd.s32 s11, s6;
	s8 =	sand.u32 $0x780, s8;
	s10 =	sadd.s32 s10, s6  }
0x12: {  	s5 =	sadd.s32 s8, s5;
	s6 =	sadd.s32 $0x1000, s11;
	s8 =	sadd.s32 s9, s2  }
0x13: {  	v0 =	vimm.f32 $0.0e+00;
	v1 =	vimm.f32 $1.000000000e+00;
	s9 =	sadd.s32 $0x41000, s10;
	s10 =	sadd.s32 $0x49000, s10;
	s11 =	smax.u32 s31, $0x1  }
.LBB2_1:
0x14: {  	[tilespmem:s4], [sflag:$0x1] =	stream.linear.gather [hbm4b:s5+s4], $0x200, $0x38;
	[tilespmem:$0x19600] =	vst v63  }
0x15: {  	s29 =	simm.s32 $0x200;
	s28 =	simm.s32 $0x0  }
0x16: {  	[tilespmem:s12], [sflag:$0x2] =	stream.linear.gather [hbm4b:s6+s4], $0x10000, $0x38;
	[tilespmem:$0x19600] =	vst v63  }
.LBB2_2:
0x17: {  	p0 =	sne.s32 s29, $0x7E00;
	[tilespmem:s28+$0x16200] =	vst v0;
	s30 =	smov.u32 s29;
	s29 =	sadd.s32 $0x200, s29  }
.Ltmp0:
0x18: {  	[tilespmem:s28+$0x14230] =	vst v0;
	(pc) =	sbr.rel @p0 .LBB2_2-.Ltmp0, $4  }
0x19: {  	[tilespmem:s28+$0x14220] =	vst v0  }
0x1a: {  	[tilespmem:s28+$0x14200] =	vst v0  }
0x1b: {  	[tilespmem:s28+$0x14210] =	vst v0  }
0x1c: {  	s28 =	sshra.s32 s30, $0x2  }
0x1d: {  	[tilespmem:s28+$0x16200] =	vst v0  }
0x1e: {  	[tilespmem:s28+$0x14230] =	vst v0  }
0x1f: {  	[tilespmem:s28+$0x14220] =	vst v0  }
0x20: {  	[tilespmem:s28+$0x14200] =	vst v0  }
0x21: {  	[tilespmem:s28+$0x14210] =	vst v0;
	s28 =	simm.s32 $0x200;
	s29 =	simm.s32 $0x0  }
.LBB2_4:
0x22: {  	p0 =	sne.s32 s28, $0xFE00;
	[tilespmem:s29+$0x10200] =	vst v1;
	s29 =	smov.u32 s28;
	s28 =	sadd.s32 $0x200, s28  }
.Ltmp1:
0x23: {  	(pc) =	sbr.rel @p0 .LBB2_4-.Ltmp1, $2  }
0x24: {  	_ =	sdelay $0x2  }
0x25: {  	s29 =	sshra.s32 s29, $0x2  }
0x26: {  	[tilespmem:s29+$0x10200] =	vst v1  }
0x27: {  	[spmem:s7] =	stream.linear.scatter [tilespmem:s13], [sflag:$0x4], $0x2000, $0x38;
	[tilespmem:$0x19600] =	vst v63  }
0x28: {  	_ =	swait.ge [sflag:s14], $0x2000  }
0x29: {  	[sflag:s14] =	ssyncset.done $0x0  }
0x2a: {  	[sflag:s14] =	ssyncadd.s32 $0xFFFFE000  }
0x2b: {  	[spmem:s8] =	stream.linear.scatter [tilespmem:s15], [sflag:$0x4], $0x2000, $0x38;
	[tilespmem:$0x19600] =	vst v63  }
0x2c: {  	_ =	swait.ge [sflag:s14], $0x2000  }
0x2d: {  	[sflag:s14] =	ssyncset.done $0x0  }
0x2e: {  	[sflag:s14] =	ssyncadd.s32 $0xFFFFE000  }
0x2f: {  	[bflag:$0x0] =	sbarrier.arrive $0xFFFF  }
0x30: {  	_ =	swait.ge [sflag:s16], $0x200  }
0x31: {  	[sflag:s16] =	ssyncset.done $0x0  }
0x32: {  	[sflag:s16] =	ssyncadd.s32 $0xFFFFFE00  }
0x33: {  	_ =	swait.ge [sflag:s17], $0x10000  }
0x34: {  	[sflag:s17] =	ssyncset.done $0x0  }
0x35: {  	[sflag:s17] =	ssyncadd.s32 $0xFFFF0000  }
0x36: {  	[spmem:s1] =	stream.indirect.scatter.add.f32 [tilespmem:s12], [sflag:$0x3], $0x40, s4, s18, $0xb8;
	[tilespmem:$0x19600] =	vst v63  }
0x37: {  	_ = 	snop  }
0x38: {  	[spmem:s2] =	stream.indirect.scatter.add.f32 [tilespmem:s19], [sflag:$0x3], $0x10, s4, s18, $0xb8;
	[tilespmem:$0x19600] =	vst v63  }
0x39: {  	_ = 	snop  }
0x3a: {  	[spmem:s1] =	stream.indirect.scatter.add.f32 [tilespmem:s20], [sflag:$0x3], $0x40, s18, s18, $0xb8;
	[tilespmem:$0x19600] =	vst v63  }
0x3b: {  	_ = 	snop  }
0x3c: {  	[spmem:s2] =	stream.indirect.scatter.add.f32 [tilespmem:s19], [sflag:$0x3], $0x10, s18, s18, $0xb8;
	[tilespmem:$0x19600] =	vst v63  }
0x3d: {  	_ = 	snop  }
0x3e: {  	[spmem:s1] =	stream.indirect.scatter.add.f32 [tilespmem:s22], [sflag:$0x3], $0x40, s21, s18, $0xb8;
	[tilespmem:$0x19600] =	vst v63  }
0x3f: {  	_ = 	snop  }
0x40: {  	[spmem:s2] =	stream.indirect.scatter.add.f32 [tilespmem:s19], [sflag:$0x3], $0x10, s21, s18, $0xb8;
	[tilespmem:$0x19600] =	vst v63  }
0x41: {  	_ = 	snop  }
0x42: {  	[spmem:s1] =	stream.indirect.scatter.add.f32 [tilespmem:s24], [sflag:$0x3], $0x40, s23, s18, $0xb8;
	[tilespmem:$0x19600] =	vst v63  }
0x43: {  	_ = 	snop  }
0x44: {  	[spmem:s2] =	stream.indirect.scatter.add.f32 [tilespmem:s19], [sflag:$0x3], $0x10, s23, s18, $0xb8;
	[tilespmem:$0x19600] =	vst v63  }
0x45: {  	_ =	swait.ge [sflag:s25], $0x2000  }
0x46: {  	[sflag:s25] =	ssyncset.done $0x0  }
0x47: {  	[sflag:s25] =	ssyncadd.s32 $0xFFFFE000  }
0x48: {  	_ =	swait.ge [sflag:s25], $0x800  }
0x49: {  	[sflag:s25] =	ssyncset.done $0x0  }
0x4a: {  	[sflag:s25] =	ssyncadd.s32 $0xFFFFF800  }
0x4b: {  	_ =	swait.ge [sflag:s25], $0x2000  }
0x4c: {  	[sflag:s25] =	ssyncset.done $0x0  }
0x4d: {  	[sflag:s25] =	ssyncadd.s32 $0xFFFFE000  }
0x4e: {  	_ =	swait.ge [sflag:s25], $0x800  }
0x4f: {  	[sflag:s25] =	ssyncset.done $0x0  }
0x50: {  	[sflag:s25] =	ssyncadd.s32 $0xFFFFF800  }
0x51: {  	_ =	swait.ge [sflag:s25], $0x2000  }
0x52: {  	[sflag:s25] =	ssyncset.done $0x0  }
0x53: {  	[sflag:s25] =	ssyncadd.s32 $0xFFFFE000  }
0x54: {  	_ =	swait.ge [sflag:s25], $0x800  }
0x55: {  	[sflag:s25] =	ssyncset.done $0x0  }
0x56: {  	[sflag:s25] =	ssyncadd.s32 $0xFFFFF800  }
0x57: {  	_ =	swait.ge [sflag:s25], $0x2000  }
0x58: {  	[sflag:s25] =	ssyncset.done $0x0  }
0x59: {  	[sflag:s25] =	ssyncadd.s32 $0xFFFFE000  }
0x5a: {  	_ =	swait.ge [sflag:s25], $0x800  }
0x5b: {  	[sflag:s25] =	ssyncset.done $0x0  }
0x5c: {  	[sflag:s25] =	ssyncadd.s32 $0xFFFFF800  }
0x5d: {  	[bflag:$0x0] =	sbarrier.arrive $0xFFFF  }
0x5e: {  	[tilespmem:s13], [sflag:$0x4] =	stream.linear.gather [spmem:s7], $0x2000, $0x38;
	[tilespmem:$0x19600] =	vst v63  }
0x5f: {  	_ =	swait.ge [sflag:s14], $0x2000  }
0x60: {  	[sflag:s14] =	ssyncset.done $0x0  }
0x61: {  	[sflag:s14] =	ssyncadd.s32 $0xFFFFE000  }
0x62: {  	[tilespmem:s15], [sflag:$0x4] =	stream.linear.gather [spmem:s8], $0x2000, $0x38;
	[tilespmem:$0x19600] =	vst v63  }
0x63: {  	_ =	swait.ge [sflag:s14], $0x2000  }
0x64: {  	[sflag:s14] =	ssyncset.done $0x0  }
0x65: {  	[sflag:s14] =	ssyncadd.s32 $0xFFFFE000  }
0x66: {  	[hbm4b:s9+s4] =	stream.linear.scatter [tilespmem:s13], [sflag:$0x4], $0x2000, $0x38;
	[tilespmem:$0x19600] =	vst v63  }
0x67: {  	s26 =	sadd.s32 $0x1, s26;
	_ =	swait.ge [sflag:s14], $0x2000  }
0x68: {  	p0 =	sne.s32 s26, s11;
	[sflag:s14] =	ssyncset.done $0x0  }
.Ltmp2:
0x69: {  	[sflag:s14] =	ssyncadd.s32 $0xFFFFE000;
	(pc) =	sbr.rel @p0 .LBB2_1-.Ltmp2, $4  }
0x6a: {  	[hbm4b:s10+s4] =	stream.linear.scatter [tilespmem:s15], [sflag:$0x4], $0x2000, $0x38;
	[tilespmem:$0x19600] =	vst v63  }
0x6b: {  	_ =	swait.ge [sflag:s14], $0x2000  }
0x6c: {  	[sflag:s14] =	ssyncset.done $0x0  }
0x6d: {  	[sflag:s14] =	ssyncadd.s32 $0xFFFFE000  }
0x6e: {  	_ =	sfence.sel $0x180000  }
0x6f: {  	[bflag:$0x0] =	sbarrier.arrive $0xFFFF  }
0x70: {  	p0 =	sne.s32 s3, $0x0;
	_ =	strace $0x90000047  }
0x71: {  	s0 =	sadd.s32 @!p0 $0x100000, s0;
	[bflag:$0x2] =	sbarrier.arrive $0xFFFF  }
0x72: {  	[sflag:s0] =	ssyncadd.tile.s32 @!p0 $0x1;
	_ =	shalt  }
.Lfunc_end2:
_tile_overlayer_lowered:
.L_overlay_start_2:
0x73: {  	(tag) =	ssettag $0x2  }
0x74: {  	s0 =	rddreg [dreg:$0x0];
	s2 =	stileid.u32  }
0x75: {  	s1 =	rddreg [dreg:$0x1];
	p0 =	sne.s32 s2, $0x0  }
0x76: {  	s3 =	rddreg [dreg:$0x2];
	[bflag:$0x3] =	sbarrier.arrive $0xFFFF;
	s2 =	simm.s32 @!p0 $0x1C04  }
0x77: {  	[timem:s3], [sflag:s2] =	dma.local @!p0 [hbm:s0], s1  }
0x78: {  	s0 =	simm.s32 @!p0 $0x4  }
0x79: {  	_ =	swait.ge @!p0 [sflag:s0], s1  }
0x7a: {  	s1 =	ssub.s32 @!p0 $0x0, s1;
	[sflag:s0] =	ssyncset.done @!p0 $0x0  }
0x7b: {  	[sflag:s0] =	ssyncadd.s32 @!p0 s1  }
0x7c: {  	[bflag:$0x3] =	sbarrier.arrive $0xFFFF  }
0x7d: {  	_ =	shalt  }

</sc_bundles>
